<compile_context>
chip_gen: v7x
topology: tpu7x:2x2x1
jax: 0.10.2.dev20260603
libtpu: 0.0.44.dev20260713+nightly
codegen_flags: <defaults>
</compile_context>

<pallas_src>
import functools
import jax
import jax.numpy as jnp
from jax import lax
from jax.experimental import pallas as pl
from jax.experimental.pallas import tpu as pltpu
from jax.experimental.pallas import tpu_sc as plsc

_HUMAN_IDX = 0
_SCORE_TH = 0.2
_IOU_TH = 0.5
_MAX_INST = 15
_N = 5000
_NP = 5120
_R = 640
_NT = _NP // _R

_NW = 16
_SL = _NP // _NW
_SLC = _SL // 16
_BIG = 1e9
_NEG = float("-inf")



def _nms_kernel(cols_ref, rows_ref, keep_ref, adj_ref):
    f32 = jnp.float32

    x0j = rows_ref[0:1, :]
    y0j = rows_ref[1:2, :]
    x1j = rows_ref[2:3, :]
    y1j = rows_ref[3:4, :]
    sj = rows_ref[4:5, :]
    labj = rows_ref[5:6, :]

    max_coord = jnp.max(cols_ref[:, 0:4])
    off_j = labj * (max_coord + 1.0)
    ox0j = x0j + off_j
    oy0j = y0j + off_j
    ox1j = x1j + off_j
    oy1j = y1j + off_j
    aj3 = ((ox1j - ox0j) * (oy1j - oy0j) + 1e-9) * (1.0 / 3.0)
    jidx = lax.broadcasted_iota(jnp.int32, (1, _NP), 1).astype(f32)

    keep_ref[...] = jnp.ones((_NP, 1), f32)

    def apply_tile(t, adj, changes):
        rows = pl.ds(t * _R, _R)
        supp = lax.dot_general(
            adj, keep_ref[...],
            (((1,), (0,)), ((), ())),
            preferred_element_type=f32)
        new = jnp.where(supp > 0.5, 0.0, 1.0)
        old = keep_ref[rows]
        keep_ref[rows] = new
        validrow = jnp.where(cols_ref[rows, 4:5] >= _SCORE_TH, 1.0, 0.0)
        return changes + jnp.sum(jnp.abs(new - old) * validrow)

    def tile_first(t, changes):
        rows = pl.ds(t * _R, _R)
        off_i = cols_ref[rows, 5:6] * (max_coord + 1.0)
        x0i = cols_ref[rows, 0:1] + off_i
        y0i = cols_ref[rows, 1:2] + off_i
        x1i = cols_ref[rows, 2:3] + off_i
        y1i = cols_ref[rows, 3:4] + off_i
        ai3 = (x1i - x0i) * (y1i - y0i) * (1.0 / 3.0)
        si = cols_ref[rows, 4:5]
        ii = (lax.broadcasted_iota(jnp.int32, (_R, 1), 0)
              + t * _R).astype(f32)

        wx = jnp.maximum(jnp.minimum(x1i, ox1j) - jnp.maximum(x0i, ox0j), 0.0)
        wy = jnp.maximum(jnp.minimum(y1i, oy1j) - jnp.maximum(y0i, oy0j), 0.0)
        inter = wx * wy
        over = inter > ai3 + aj3
        precede = (sj > si) | ((sj == si) & (jidx < ii))
        adj = (over & precede).astype(f32)
        adj_ref[rows, :] = adj.astype(jnp.int8)
        return apply_tile(t, adj, changes)

    def tile_cached(t, changes):
        adj = adj_ref[pl.ds(t * _R, _R), :].astype(f32)
        return apply_tile(t, adj, changes)

    def sweep_body(c):
        return lax.fori_loop(0, _NT, tile_cached, 0.0)

    c1 = lax.fori_loop(0, _NT, tile_first, 0.0)
    lax.while_loop(lambda c: c > 0.0, sweep_body, c1)



def _perm(v, idx16):
    return lax.gather(
        v, idx16[:, None],
        lax.GatherDimensionNumbers(
            offset_dims=(), collapsed_slice_dims=(0,), start_index_map=(0,)),
        (1,), mode=lax.GatherScatterMode.PROMISE_IN_BOUNDS)


def _xmax(v):
    lanei = lax.iota(jnp.int32, 16)
    for k in (1, 2, 4, 8):
        v = jnp.maximum(v, _perm(v, lanei ^ k))
    return v


def _xmin(v):
    lanei = lax.iota(jnp.int32, 16)
    for k in (1, 2, 4, 8):
        v = jnp.minimum(v, _perm(v, lanei ^ k))
    return v


def _topk_rounds(read_chunk, nchunks):
    f32 = jnp.float32
    lane = lax.iota(jnp.int32, 16).astype(f32)

    def round_body(r, carry):
        lm, li, resv, resi = carry

        def p1(k, macc):
            v, gi = read_chunk(k)
            elig = (v < lm) | ((v == lm) & (gi > li))
            return jnp.maximum(macc, jnp.where(elig, v, _NEG))

        macc = lax.fori_loop(0, nchunks, p1, jnp.full((16,), _NEG, f32))
        m = _xmax(macc)

        def p2(k, iacc):
            v, gi = read_chunk(k)
            elig = (v < lm) | ((v == lm) & (gi > li))
            hit = elig & (v == m)
            return jnp.minimum(iacc, jnp.where(hit, gi, _BIG))

        iacc = lax.fori_loop(0, nchunks, p2, jnp.full((16,), _BIG, f32))
        idx = _xmin(iacc)
        rf = r.astype(f32)
        resv = jnp.where(lane == rf, m, resv)
        resi = jnp.where(lane == rf, idx, resi)
        return m, idx, resv, resi

    init = (jnp.full((16,), float("inf"), f32), jnp.full((16,), -1.0, f32),
            jnp.full((16,), _NEG, f32), jnp.full((16,), _BIG, f32))
    _, _, resv, resi = lax.fori_loop(0, _MAX_INST, round_body, init)
    return resv, resi


def _select_body(scores_hbm, labels_hbm, keep_hbm, brow_hbm, hid_hbm,
                 hs_out, bx_out,
                 sv, lv, kv, humv, objv, res_stage, shared, merged,
                 idxv, hsv, bxg, sem):
    f32 = jnp.float32
    cid = lax.axis_index("c")
    sid = lax.axis_index("s")
    lane = lax.iota(jnp.int32, 16).astype(f32)

    @pl.when(cid == 0)
    def _local():
        base = sid * _SL
        pltpu.sync_copy(scores_hbm.at[pl.ds(base, _SL)], sv)
        pltpu.sync_copy(labels_hbm.at[pl.ds(base, _SL)], lv)
        pltpu.sync_copy(keep_hbm.at[pl.ds(base, _SL)], kv)

        def mk_masks(k, _):
            sl = pl.ds(k * 16, 16)
            v = sv[sl]
            l = lv[sl]
            kp = kv[sl]
            valid = (kp > 0.5) & (v >= _SCORE_TH)
            humv[sl] = jnp.where(valid & (l == float(_HUMAN_IDX)), v, _NEG)
            objv[sl] = jnp.where(valid & (l != float(_HUMAN_IDX)), v, _NEG)
            return 0

        lax.fori_loop(0, _SLC, mk_masks, 0)
        basef = (sid * _SL).astype(f32)

        def rd_hum(k):
            gi = basef + (k * 16).astype(f32) + lane
            return humv[pl.ds(k * 16, 16)], gi

        def rd_obj(k):
            gi = basef + (k * 16).astype(f32) + lane
            return objv[pl.ds(k * 16, 16)], gi

        hv, hi = _topk_rounds(rd_hum, _SLC)
        ov, oi = _topk_rounds(rd_obj, _SLC)
        res_stage[pl.ds(0, 16)] = hv
        res_stage[pl.ds(16, 16)] = hi
        res_stage[pl.ds(32, 16)] = ov
        res_stage[pl.ds(48, 16)] = oi
        pltpu.sync_copy(res_stage, shared.at[pl.ds(sid * 64, 64)])

    plsc.subcore_barrier()

    @pl.when((cid == 0) & (sid == 0))
    def _merge_and_gather():
        pltpu.sync_copy(shared, merged)

        def rd_cat(off):
            def rd(k):
                return (merged[pl.ds(k * 64 + off, 16)],
                        merged[pl.ds(k * 64 + off + 16, 16)])
            return rd

        ghv, ghi = _topk_rounds(rd_cat(0), _NW)
        gov, goi = _topk_rounds(rd_cat(32), _NW)

        hum_i = jnp.minimum(ghi, _BIG - 1.0).astype(jnp.int32)
        obj_i = jnp.minimum(goi, _BIG - 1.0).astype(jnp.int32)
        hum_i = jnp.where(hum_i >= _NP, 0, hum_i)
        obj_i = jnp.where(obj_i >= _NP, 0, obj_i)
        idxv[pl.ds(0, 16)] = hum_i
        idxv[pl.ds(16, 16)] = obj_i

        pltpu.async_copy(hid_hbm.at[idxv], hsv, sem).wait()
        pltpu.async_copy(brow_hbm.at[idxv], bxg, sem).wait()

        four = jnp.full((16,), 4, jnp.int32)

        def mul_rows(r, _):
            rowh = bxg[r, pl.ds(0, 16)]
            rowo = bxg[r + 16, pl.ds(0, 16)]
            s_h = _perm(rowh, four)
            s_o = _perm(rowo, four)
            sig_h = 1.0 / (1.0 + jnp.exp(-s_h))
            sig_o = 1.0 / (1.0 + jnp.exp(-s_o))

            def mul_chunk(c, _c):
                hsv[r, pl.ds(c * 16, 16)] = hsv[r, pl.ds(c * 16, 16)] * sig_h
                ro = r + 16
                hsv[ro, pl.ds(c * 16, 16)] = hsv[ro, pl.ds(c * 16, 16)] * sig_o
                return 0

            lax.fori_loop(0, 16, mul_chunk, 0)
            return 0

        lax.fori_loop(0, 16, mul_rows, 0)

        pltpu.sync_copy(hsv, hs_out)
        pltpu.sync_copy(bxg, bx_out)


def _make_select():
    mesh = plsc.VectorSubcoreMesh(core_axis_name="c", subcore_axis_name="s")
    f32 = jnp.float32
    return pl.kernel(
        _select_body,
        mesh=mesh,
        out_type=[
            jax.ShapeDtypeStruct((32, 256), f32),
            jax.ShapeDtypeStruct((32, 128), f32),
        ],
        scratch_types=[
            pltpu.VMEM((_SL,), f32),
            pltpu.VMEM((_SL,), f32),
            pltpu.VMEM((_SL,), f32),
            pltpu.VMEM((_SL,), f32),
            pltpu.VMEM((_SL,), f32),
            pltpu.VMEM((64,), f32),
            pltpu.VMEM_SHARED((_NW * 64,), f32),
            pltpu.VMEM((_NW * 64,), f32),
            pltpu.VMEM((32,), jnp.int32),
            pltpu.VMEM((32, 256), f32),
            pltpu.VMEM((32, 128), f32),
            pltpu.SemaphoreType.DMA,
        ],
    )



def kernel(boxes, scores, hidden_states, labels):
    f32 = jnp.float32
    pad = _NP - _N
    boxesp = jnp.pad(boxes, ((0, pad), (0, 0)))
    scoresp = jnp.pad(scores, (0, pad), constant_values=-jnp.inf)
    labelsp = jnp.pad(labels.astype(f32), (0, pad))
    zeros2 = jnp.zeros((_NP, 2), f32)
    cols = jnp.concatenate(
        [boxesp, scoresp[:, None], labelsp[:, None], zeros2], axis=1)
    rows = cols.T

    keep = pl.pallas_call(
        _nms_kernel,
        out_shape=jax.ShapeDtypeStruct((_NP, 1), f32),
        scratch_shapes=[
            pltpu.VMEM((_NP, _NP), jnp.int8),
        ],
    )(cols, rows)

    brow = jnp.pad(cols, ((0, 0), (0, 120)))
    hs32, bxg = _make_select()(
        scoresp, labelsp, keep.reshape(_NP), brow, hidden_states)
    hs = jnp.concatenate([hs32[0:_MAX_INST], hs32[16:16 + _MAX_INST]], axis=0)
    bx32 = bxg[:, 0:4]
    bx = jnp.concatenate([bx32[0:_MAX_INST], bx32[16:16 + _MAX_INST]], axis=0)
    return jnp.concatenate([hs, bx], axis=1)

# --- scband reference (transcript-rebuilt; emitter-appended) ---
"""Pipeline reference for scband-upt-32744830664881 (READ-ONLY COPY).

The authoritative reference and input builder live on the scoring server;
editing this copy changes nothing except your own understanding.
"""

import jax, jax.numpy as jnp
import numpy as np

HUMAN_IDX = 0
BOX_SCORE_THRESH = 0.2
NMS_IOU_THRESH = 0.5
MAX_INSTANCES = 15
N = 5000
D_HIDDEN = 256
IMG = 800.0

def box_iou(a, b):
    area_a = (a[:, 2] - a[:, 0]) * (a[:, 3] - a[:, 1])
    area_b = (b[:, 2] - b[:, 0]) * (b[:, 3] - b[:, 1])
    lt = jnp.maximum(a[:, None, :2], b[None, :, :2])
    rb = jnp.minimum(a[:, None, 2:], b[None, :, 2:])
    wh = jnp.clip(rb - lt, 0.0, None)
    inter = wh[..., 0] * wh[..., 1]
    return inter / (area_a[:, None] + area_b[None, :] - inter + 1e-9)

def nms_keep(boxes, scores, iou_thresh):
    n = boxes.shape[0]
    order = jnp.argsort(-scores)
    b = boxes[order]
    iou = box_iou(b, b)
    idxs = jnp.arange(n)
    def body(i, keep):
        supp = jnp.any((iou[i] > iou_thresh) & keep & (idxs < i))
        return keep.at[i].set(jnp.logical_not(supp))
    keep_sorted = jax.lax.fori_loop(0, n, body, jnp.zeros(n, dtype=bool))
    return jnp.zeros(n, dtype=bool).at[order].set(keep_sorted)

def batched_nms_keep(boxes, scores, labels, iou_thresh):
    # torchvision batched_nms trick: offset boxes per class so different classes never overlap
    max_coord = jnp.max(boxes)
    offsets = labels.astype(boxes.dtype) * (max_coord + 1.0)
    return nms_keep(boxes + offsets[:, None], scores, iou_thresh)

def select_indices(keep, scores, labels):
    valid = keep & (scores >= BOX_SCORE_THRESH)
    is_human = labels == HUMAN_IDX
    hum = jnp.where(valid & is_human, scores, -jnp.inf)
    obj = jnp.where(valid & (~is_human), scores, -jnp.inf)
    _, hidx = jax.lax.top_k(hum, MAX_INSTANCES)
    _, oidx = jax.lax.top_k(obj, MAX_INSTANCES)
    return jnp.concatenate([hidx, oidx])

def setup_inputs(seed: int = 0):
    key = jax.random.key(seed)
    k1, k2, k3, k4, k5 = jax.random.split(key, 5)
    cxcy = jax.random.uniform(k1, (N, 2), jnp.float32, 0.0, IMG)
    wh = jax.random.uniform(k2, (N, 2), jnp.float32, 20.0, 200.0)
    boxes = jnp.concatenate([cxcy - wh / 2.0, cxcy + wh / 2.0], axis=1)
    boxes = jnp.clip(boxes, 0.0, IMG)
    scores = jax.random.uniform(k3, (N,), jnp.float32)
    labels = jax.random.randint(k4, (N,), 0, 80)
    hidden_states = jax.random.normal(k5, (N, D_HIDDEN), jnp.float32)
    return {"boxes": boxes, "scores": scores, "hidden_states": hidden_states, "labels": labels}

def reference(boxes, scores, hidden_states, labels):
    keep = batched_nms_keep(boxes, scores, labels, NMS_IOU_THRESH)
    idx = select_indices(keep, scores, labels)
    sel_sc = scores[idx]
    sel_hs = hidden_states[idx]
    sel_bx = boxes[idx]
    out = jnp.concatenate([sel_hs * jax.nn.sigmoid(sel_sc)[:, None], sel_bx], axis=1)
    return out

if __name__ == "__main__":
    import jax
    _d = setup_inputs()
    print(jax.jit(kernel)(*tuple(_d.values())))

</pallas_src>

<mosaic_0001>
#map = affine_map<(d0, d1) -> (0)>
#map1 = affine_map<(d0, d1) -> (0, 0)>
module attributes {stable_mosaic.version = 14 : i64} {
  func.func @_select_body(%arg0: i32, %arg1: i32, %arg2: memref<5120xf32, #tpu.memory_space<hbm>>, %arg3: memref<5120xf32, #tpu.memory_space<hbm>>, %arg4: memref<5120xf32, #tpu.memory_space<hbm>>, %arg5: memref<5120x128xf32, #tpu.memory_space<hbm>>, %arg6: memref<5000x256xf32, #tpu.memory_space<hbm>>, %arg7: memref<32x256xf32, #tpu.memory_space<hbm>>, %arg8: memref<32x128xf32, #tpu.memory_space<hbm>>, %arg9: memref<320xf32, #tpu.memory_space<vmem>>, %arg10: memref<320xf32, #tpu.memory_space<vmem>>, %arg11: memref<320xf32, #tpu.memory_space<vmem>>, %arg12: memref<320xf32, #tpu.memory_space<vmem>>, %arg13: memref<320xf32, #tpu.memory_space<vmem>>, %arg14: memref<64xf32, #tpu.memory_space<vmem>>, %arg15: memref<1024xf32, #tpu.memory_space<vmem_shared>>, %arg16: memref<1024xf32, #tpu.memory_space<vmem>>, %arg17: memref<32xi32, #tpu.memory_space<vmem>>, %arg18: memref<32x256xf32, #tpu.memory_space<vmem>>, %arg19: memref<32x128xf32, #tpu.memory_space<vmem>>, %arg20: memref<!tpu.dma_semaphore, #tpu.memory_space<semaphore_mem>>) attributes {dimension_semantics = [#tpu.dimension_semantics<core_parallel>, #tpu.dimension_semantics<subcore_parallel>], iteration_bounds = array<i64: 2, 16>, scalar_prefetch = 0 : i64, scratch_operands = 12 : i64, tpu.core_type = #tpu.core_type<sc_vector_subcore>, window_params = [{transform_indices = #map}, {transform_indices = #map}, {transform_indices = #map}, {transform_indices = #map1}, {transform_indices = #map1}, {transform_indices = #map1}, {transform_indices = #map1}]} {
    %iota3A = tpu.iota {dimensions = array<i32: 0>} : vector<16xi32>
    %convert_element_type3A = arith.sitofp %iota3A : vector<16xi32> to vector<16xf32>
    %eq3A = arith.constant 0 : i32
    %eq3A_0 = arith.cmpi eq, %arg0, %eq3A : i32
    %convert_element_type3A_1 = arith.extui %eq3A_0 : i1 to i32
    %cond3A = arith.constant 0 : i32
    %cond3A_2 = arith.cmpi ne, %convert_element_type3A_1, %cond3A : i32
    scf.if %cond3A_2 {
      %mul3A = arith.constant 320 : i32
      %mul3A_10 = arith.muli %arg1, %mul3A : i32
      "tpu.region"() ({
        %run_scoped3A = tpu.sem_alloc : memref<!tpu.dma_semaphore, #tpu.memory_space<semaphore_mem>>
        %dma_start3A = tpu.memref_slice %arg2[%mul3A_10] : memref<5120xf32, #tpu.memory_space<hbm>> -> memref<320xf32, #tpu.memory_space<hbm>>
        %dma_start3A_68 = tpu.memref_slice %arg2[%mul3A_10] : memref<5120xf32, #tpu.memory_space<hbm>> -> memref<320xf32, #tpu.memory_space<hbm>>
        tpu.enqueue_dma source(%dma_start3A_68 : memref<320xf32, #tpu.memory_space<hbm>>) target(%arg9 : memref<320xf32, #tpu.memory_space<vmem>>) target_semaphore(%run_scoped3A : memref<!tpu.dma_semaphore, #tpu.memory_space<semaphore_mem>>)
        %dma_wait3A = tpu.memref_slice %arg2[%mul3A_10] : memref<5120xf32, #tpu.memory_space<hbm>> -> memref<320xf32, #tpu.memory_space<hbm>>
        %dma_wait3A_69 = tpu.memref_slice %arg2[%mul3A_10] : memref<5120xf32, #tpu.memory_space<hbm>> -> memref<320xf32, #tpu.memory_space<hbm>>
        tpu.wait_dma2 semaphore(%run_scoped3A : memref<!tpu.dma_semaphore, #tpu.memory_space<semaphore_mem>>) src(%dma_wait3A_69 : memref<320xf32, #tpu.memory_space<hbm>>) dst(%arg9 : memref<320xf32, #tpu.memory_space<vmem>>)
        tpu.yield
      }) : () -> ()
      "tpu.region"() ({
        %run_scoped3A = tpu.sem_alloc : memref<!tpu.dma_semaphore, #tpu.memory_space<semaphore_mem>>
        %dma_start3A = tpu.memref_slice %arg3[%mul3A_10] : memref<5120xf32, #tpu.memory_space<hbm>> -> memref<320xf32, #tpu.memory_space<hbm>>
        %dma_start3A_68 = tpu.memref_slice %arg3[%mul3A_10] : memref<5120xf32, #tpu.memory_space<hbm>> -> memref<320xf32, #tpu.memory_space<hbm>>
        tpu.enqueue_dma source(%dma_start3A_68 : memref<320xf32, #tpu.memory_space<hbm>>) target(%arg10 : memref<320xf32, #tpu.memory_space<vmem>>) target_semaphore(%run_scoped3A : memref<!tpu.dma_semaphore, #tpu.memory_space<semaphore_mem>>)
        %dma_wait3A = tpu.memref_slice %arg3[%mul3A_10] : memref<5120xf32, #tpu.memory_space<hbm>> -> memref<320xf32, #tpu.memory_space<hbm>>
        %dma_wait3A_69 = tpu.memref_slice %arg3[%mul3A_10] : memref<5120xf32, #tpu.memory_space<hbm>> -> memref<320xf32, #tpu.memory_space<hbm>>
        tpu.wait_dma2 semaphore(%run_scoped3A : memref<!tpu.dma_semaphore, #tpu.memory_space<semaphore_mem>>) src(%dma_wait3A_69 : memref<320xf32, #tpu.memory_space<hbm>>) dst(%arg10 : memref<320xf32, #tpu.memory_space<vmem>>)
        tpu.yield
      }) : () -> ()
      "tpu.region"() ({
        %run_scoped3A = tpu.sem_alloc : memref<!tpu.dma_semaphore, #tpu.memory_space<semaphore_mem>>
        %dma_start3A = tpu.memref_slice %arg4[%mul3A_10] : memref<5120xf32, #tpu.memory_space<hbm>> -> memref<320xf32, #tpu.memory_space<hbm>>
        %dma_start3A_68 = tpu.memref_slice %arg4[%mul3A_10] : memref<5120xf32, #tpu.memory_space<hbm>> -> memref<320xf32, #tpu.memory_space<hbm>>
        tpu.enqueue_dma source(%dma_start3A_68 : memref<320xf32, #tpu.memory_space<hbm>>) target(%arg11 : memref<320xf32, #tpu.memory_space<vmem>>) target_semaphore(%run_scoped3A : memref<!tpu.dma_semaphore, #tpu.memory_space<semaphore_mem>>)
        %dma_wait3A = tpu.memref_slice %arg4[%mul3A_10] : memref<5120xf32, #tpu.memory_space<hbm>> -> memref<320xf32, #tpu.memory_space<hbm>>
        %dma_wait3A_69 = tpu.memref_slice %arg4[%mul3A_10] : memref<5120xf32, #tpu.memory_space<hbm>> -> memref<320xf32, #tpu.memory_space<hbm>>
        tpu.wait_dma2 semaphore(%run_scoped3A : memref<!tpu.dma_semaphore, #tpu.memory_space<semaphore_mem>>) src(%dma_wait3A_69 : memref<320xf32, #tpu.memory_space<hbm>>) dst(%arg11 : memref<320xf32, #tpu.memory_space<vmem>>)
        tpu.yield
      }) : () -> ()
      %scan3A = arith.constant 0 : i32
      %scan3A_11 = arith.constant 0 : i32
      %scan3A_12 = arith.constant 20 : i32
      %scan3A_13 = arith.addi %scan3A_11, %scan3A_12 : i32
      %scan3A_14 = arith.constant 1 : i32
      %scan3A_15 = scf.for %scan3A_68 = %scan3A_11 to %scan3A_13 step %scan3A_14 iter_args(%scan3A_69 = %scan3A) -> (i32)  : i32 {
        %mul3A_70 = arith.constant 16 : i32
        %mul3A_71 = arith.muli %scan3A_68, %mul3A_70 : i32
        %get3A = arith.index_cast %mul3A_71 : i32 to index
        %get3A_72 = tpu.vector_load %arg9[%get3A] {strides = array<i32>} : memref<320xf32, #tpu.memory_space<vmem>>, vector<16xf32>,
        %get3A_73 = vector.shape_cast %get3A_72 : vector<16xf32> to vector<16xf32>
        %get3A_74 = arith.index_cast %mul3A_71 : i32 to index
        %get3A_75 = tpu.vector_load %arg10[%get3A_74] {strides = array<i32>} : memref<320xf32, #tpu.memory_space<vmem>>, vector<16xf32>,
        %get3A_76 = vector.shape_cast %get3A_75 : vector<16xf32> to vector<16xf32>
        %get3A_77 = arith.index_cast %mul3A_71 : i32 to index
        %get3A_78 = tpu.vector_load %arg11[%get3A_77] {strides = array<i32>} : memref<320xf32, #tpu.memory_space<vmem>>, vector<16xf32>,
        %get3A_79 = vector.shape_cast %get3A_78 : vector<16xf32> to vector<16xf32>
        %gt3A = arith.constant 5.000000e-01 : f32
        %gt3A_80 = vector.broadcast %gt3A : f32 to vector<16xf32>
        %gt3A_81 = arith.cmpf ogt, %get3A_79, %gt3A_80 : vector<16xf32>
        %ge3A = arith.constant 2.000000e-01 : f32
        %ge3A_82 = vector.broadcast %ge3A : f32 to vector<16xf32>
        %ge3A_83 = arith.cmpf oge, %get3A_73, %ge3A_82 : vector<16xf32>
        %and3A_84 = arith.andi %gt3A_81, %ge3A_83 : vector<16xi1>
        %eq3A_85 = arith.constant 0.000000e+00 : f32
        %eq3A_86 = vector.broadcast %eq3A_85 : f32 to vector<16xf32>
        %eq3A_87 = arith.cmpf oeq, %get3A_76, %eq3A_86 : vector<16xf32>
        %and3A_88 = arith.andi %and3A_84, %eq3A_87 : vector<16xi1>
        %jit3A = arith.constant 0xFF800000 : f32
        %broadcast_in_dim3A_89 = vector.broadcast %jit3A : f32 to vector<16xf32>
        %select_n3A = arith.select %and3A_88, %get3A_73, %broadcast_in_dim3A_89 : vector<16xi1>, vector<16xf32>
        %swap3A_90 = arith.index_cast %mul3A_71 : i32 to index
        %swap3A_91 = tpu.vector_load %arg12[%swap3A_90] {strides = array<i32>} : memref<320xf32, #tpu.memory_space<vmem>>, vector<16xf32>,
        %swap3A_92 = vector.shape_cast %swap3A_91 : vector<16xf32> to vector<16xf32>
        %swap3A_93 = vector.shape_cast %select_n3A : vector<16xf32> to vector<16xf32>
        tpu.vector_store %arg12[%swap3A_90], %swap3A_93 {strides = array<i32>} : memref<320xf32, #tpu.memory_space<vmem>>, vector<16xf32>,
        %ne3A = arith.constant 0.000000e+00 : f32
        %ne3A_94 = vector.broadcast %ne3A : f32 to vector<16xf32>
        %ne3A_95 = arith.cmpf one, %get3A_76, %ne3A_94 : vector<16xf32>
        %and3A_96 = arith.andi %and3A_84, %ne3A_95 : vector<16xi1>
        %jit3A_97 = arith.constant 0xFF800000 : f32
        %broadcast_in_dim3A_98 = vector.broadcast %jit3A_97 : f32 to vector<16xf32>
        %select_n3A_99 = arith.select %and3A_96, %get3A_73, %broadcast_in_dim3A_98 : vector<16xi1>, vector<16xf32>
        %swap3A_100 = arith.index_cast %mul3A_71 : i32 to index
        %swap3A_101 = tpu.vector_load %arg13[%swap3A_100] {strides = array<i32>} : memref<320xf32, #tpu.memory_space<vmem>>, vector<16xf32>,
        %swap3A_102 = vector.shape_cast %swap3A_101 : vector<16xf32> to vector<16xf32>
        %swap3A_103 = vector.shape_cast %select_n3A_99 : vector<16xf32> to vector<16xf32>
        tpu.vector_store %arg13[%swap3A_100], %swap3A_103 {strides = array<i32>} : memref<320xf32, #tpu.memory_space<vmem>>, vector<16xf32>,
        %scan3A_104 = arith.constant 0 : i32
        scf.yield %scan3A_104 : i32
      }
      %scan3A_16 = arith.constant 20 : i32
      %mul3A_17 = arith.constant 320 : i32
      %mul3A_18 = arith.muli %arg1, %mul3A_17 : i32
      %convert_element_type3A_19 = arith.sitofp %mul3A_18 : i32 to f32
      %iota3A_20 = tpu.iota {dimensions = array<i32: 0>} : vector<16xi32>
      %convert_element_type3A_21 = arith.sitofp %iota3A_20 : vector<16xi32> to vector<16xf32>
      %broadcast_in_dim3A = arith.constant 0x7F800000 : f32
      %broadcast_in_dim3A_22 = vector.broadcast %broadcast_in_dim3A : f32 to vector<16xf32>
      %broadcast_in_dim3A_23 = arith.constant -1.000000e+00 : f32
      %broadcast_in_dim3A_24 = vector.broadcast %broadcast_in_dim3A_23 : f32 to vector<16xf32>
      %broadcast_in_dim3A_25 = arith.constant 0xFF800000 : f32
      %broadcast_in_dim3A_26 = vector.broadcast %broadcast_in_dim3A_25 : f32 to vector<16xf32>
      %broadcast_in_dim3A_27 = arith.constant 1.000000e+09 : f32
      %broadcast_in_dim3A_28 = vector.broadcast %broadcast_in_dim3A_27 : f32 to vector<16xf32>
      %scan3A_29 = arith.constant 0 : i32
      %scan3A_30 = arith.constant 15 : i32
      %scan3A_31 = arith.addi %scan3A_29, %scan3A_30 : i32
      %scan3A_32 = arith.constant 1 : i32
      %scan3A_33:4 = scf.for %scan3A_68 = %scan3A_29 to %scan3A_31 step %scan3A_32 iter_args(%scan3A_69 = %broadcast_in_dim3A_22, %scan3A_70 = %broadcast_in_dim3A_24, %scan3A_71 = %broadcast_in_dim3A_26, %scan3A_72 = %broadcast_in_dim3A_28) -> (vector<16xf32>, vector<16xf32>, vector<16xf32>, vector<16xf32>)  : i32 {
        %broadcast_in_dim3A_73 = arith.constant 0xFF800000 : f32
        %broadcast_in_dim3A_74 = vector.broadcast %broadcast_in_dim3A_73 : f32 to vector<16xf32>
        %scan3A_75 = arith.constant 0 : i32
        %scan3A_76 = arith.constant 20 : i32
        %scan3A_77 = arith.addi %scan3A_75, %scan3A_76 : i32
        %scan3A_78 = arith.constant 1 : i32
        %scan3A_79 = scf.for %scan3A_149 = %scan3A_75 to %scan3A_77 step %scan3A_78 iter_args(%scan3A_150 = %broadcast_in_dim3A_74) -> (vector<16xf32>)  : i32 {
          %mul3A_151 = arith.constant 16 : i32
          %mul3A_152 = arith.muli %scan3A_149, %mul3A_151 : i32
          %convert_element_type3A_153 = arith.sitofp %mul3A_152 : i32 to f32
          %add3A = arith.addf %convert_element_type3A_19, %convert_element_type3A_153 : f32
          %add3A_154 = vector.broadcast %add3A : f32 to vector<16xf32>
          %add3A_155 = arith.addf %add3A_154, %convert_element_type3A : vector<16xf32>
          %mul3A_156 = arith.constant 16 : i32
          %mul3A_157 = arith.muli %scan3A_149, %mul3A_156 : i32
          %get3A = arith.index_cast %mul3A_157 : i32 to index
          %get3A_158 = tpu.vector_load %arg12[%get3A] {strides = array<i32>} : memref<320xf32, #tpu.memory_space<vmem>>, vector<16xf32>,
          %get3A_159 = vector.shape_cast %get3A_158 : vector<16xf32> to vector<16xf32>
          %lt3A = arith.cmpf olt, %get3A_159, %scan3A_69 : vector<16xf32>
          %eq3A_160 = arith.cmpf oeq, %get3A_159, %scan3A_69 : vector<16xf32>
          %gt3A = arith.cmpf ogt, %add3A_155, %scan3A_70 : vector<16xf32>
          %and3A_161 = arith.andi %eq3A_160, %gt3A : vector<16xi1>
          %or3A = arith.ori %lt3A, %and3A_161 : vector<16xi1>
          %jit3A = arith.constant 0xFF800000 : f32
          %broadcast_in_dim3A_162 = vector.broadcast %jit3A : f32 to vector<16xf32>
          %select_n3A_163 = arith.select %or3A, %get3A_159, %broadcast_in_dim3A_162 : vector<16xi1>, vector<16xf32>
          %max3A_164 = arith.maximumf %scan3A_150, %select_n3A_163 : vector<16xf32>
          scf.yield %max3A_164 : vector<16xf32>
        }
        %scan3A_80 = arith.constant 20 : i32
        %iota3A_81 = tpu.iota {dimensions = array<i32: 0>} : vector<16xi32>
        %xor3A = arith.constant 1 : i32
        %xor3A_82 = vector.broadcast %xor3A : i32 to vector<16xi32>
        %xor3A_83 = arith.xori %iota3A_81, %xor3A_82 : vector<16xi32>
        %broadcast_in_dim3A_84 = vector.shape_cast %xor3A_83 : vector<16xi32> to vector<16x1xi32>
        %gather3A = vector.shape_cast %broadcast_in_dim3A_84 : vector<16x1xi32> to vector<16xi32>
        %gather3A_85 = tpu.dynamic_gather %scan3A_79[%gather3A] in [0] : vector<16xf32>, vector<16xi32> -> vector<16xf32>
        %max3A = arith.maximumf %scan3A_79, %gather3A_85 : vector<16xf32>
        %xor3A_86 = arith.constant 2 : i32
        %xor3A_87 = vector.broadcast %xor3A_86 : i32 to vector<16xi32>
        %xor3A_88 = arith.xori %iota3A_81, %xor3A_87 : vector<16xi32>
        %broadcast_in_dim3A_89 = vector.shape_cast %xor3A_88 : vector<16xi32> to vector<16x1xi32>
        %gather3A_90 = vector.shape_cast %broadcast_in_dim3A_89 : vector<16x1xi32> to vector<16xi32>
        %gather3A_91 = tpu.dynamic_gather %max3A[%gather3A_90] in [0] : vector<16xf32>, vector<16xi32> -> vector<16xf32>
        %max3A_92 = arith.maximumf %max3A, %gather3A_91 : vector<16xf32>
        %xor3A_93 = arith.constant 4 : i32
        %xor3A_94 = vector.broadcast %xor3A_93 : i32 to vector<16xi32>
        %xor3A_95 = arith.xori %iota3A_81, %xor3A_94 : vector<16xi32>
        %broadcast_in_dim3A_96 = vector.shape_cast %xor3A_95 : vector<16xi32> to vector<16x1xi32>
        %gather3A_97 = vector.shape_cast %broadcast_in_dim3A_96 : vector<16x1xi32> to vector<16xi32>
        %gather3A_98 = tpu.dynamic_gather %max3A_92[%gather3A_97] in [0] : vector<16xf32>, vector<16xi32> -> vector<16xf32>
        %max3A_99 = arith.maximumf %max3A_92, %gather3A_98 : vector<16xf32>
        %xor3A_100 = arith.constant 8 : i32
        %xor3A_101 = vector.broadcast %xor3A_100 : i32 to vector<16xi32>
        %xor3A_102 = arith.xori %iota3A_81, %xor3A_101 : vector<16xi32>
        %broadcast_in_dim3A_103 = vector.shape_cast %xor3A_102 : vector<16xi32> to vector<16x1xi32>
        %gather3A_104 = vector.shape_cast %broadcast_in_dim3A_103 : vector<16x1xi32> to vector<16xi32>
        %gather3A_105 = tpu.dynamic_gather %max3A_99[%gather3A_104] in [0] : vector<16xf32>, vector<16xi32> -> vector<16xf32>
        %max3A_106 = arith.maximumf %max3A_99, %gather3A_105 : vector<16xf32>
        %broadcast_in_dim3A_107 = arith.constant 1.000000e+09 : f32
        %broadcast_in_dim3A_108 = vector.broadcast %broadcast_in_dim3A_107 : f32 to vector<16xf32>
        %scan3A_109 = arith.constant 0 : i32
        %scan3A_110 = arith.constant 20 : i32
        %scan3A_111 = arith.addi %scan3A_109, %scan3A_110 : i32
        %scan3A_112 = arith.constant 1 : i32
        %scan3A_113 = scf.for %scan3A_149 = %scan3A_109 to %scan3A_111 step %scan3A_112 iter_args(%scan3A_150 = %broadcast_in_dim3A_108) -> (vector<16xf32>)  : i32 {
          %mul3A_151 = arith.constant 16 : i32
          %mul3A_152 = arith.muli %scan3A_149, %mul3A_151 : i32
          %convert_element_type3A_153 = arith.sitofp %mul3A_152 : i32 to f32
          %add3A = arith.addf %convert_element_type3A_19, %convert_element_type3A_153 : f32
          %add3A_154 = vector.broadcast %add3A : f32 to vector<16xf32>
          %add3A_155 = arith.addf %add3A_154, %convert_element_type3A : vector<16xf32>
          %mul3A_156 = arith.constant 16 : i32
          %mul3A_157 = arith.muli %scan3A_149, %mul3A_156 : i32
          %get3A = arith.index_cast %mul3A_157 : i32 to index
          %get3A_158 = tpu.vector_load %arg12[%get3A] {strides = array<i32>} : memref<320xf32, #tpu.memory_space<vmem>>, vector<16xf32>,
          %get3A_159 = vector.shape_cast %get3A_158 : vector<16xf32> to vector<16xf32>
          %lt3A = arith.cmpf olt, %get3A_159, %scan3A_69 : vector<16xf32>
          %eq3A_160 = arith.cmpf oeq, %get3A_159, %scan3A_69 : vector<16xf32>
          %gt3A = arith.cmpf ogt, %add3A_155, %scan3A_70 : vector<16xf32>
          %and3A_161 = arith.andi %eq3A_160, %gt3A : vector<16xi1>
          %or3A = arith.ori %lt3A, %and3A_161 : vector<16xi1>
          %eq3A_162 = arith.cmpf oeq, %get3A_159, %max3A_106 : vector<16xf32>
          %and3A_163 = arith.andi %or3A, %eq3A_162 : vector<16xi1>
          %jit3A = arith.constant 1.000000e+09 : f32
          %broadcast_in_dim3A_164 = vector.broadcast %jit3A : f32 to vector<16xf32>
          %select_n3A_165 = arith.select %and3A_163, %add3A_155, %broadcast_in_dim3A_164 : vector<16xi1>, vector<16xf32>
          %min3A_166 = arith.minimumf %scan3A_150, %select_n3A_165 : vector<16xf32>
          scf.yield %min3A_166 : vector<16xf32>
        }
        %scan3A_114 = arith.constant 20 : i32
        %iota3A_115 = tpu.iota {dimensions = array<i32: 0>} : vector<16xi32>
        %xor3A_116 = arith.constant 1 : i32
        %xor3A_117 = vector.broadcast %xor3A_116 : i32 to vector<16xi32>
        %xor3A_118 = arith.xori %iota3A_115, %xor3A_117 : vector<16xi32>
        %broadcast_in_dim3A_119 = vector.shape_cast %xor3A_118 : vector<16xi32> to vector<16x1xi32>
        %gather3A_120 = vector.shape_cast %broadcast_in_dim3A_119 : vector<16x1xi32> to vector<16xi32>
        %gather3A_121 = tpu.dynamic_gather %scan3A_113[%gather3A_120] in [0] : vector<16xf32>, vector<16xi32> -> vector<16xf32>
        %min3A = arith.minimumf %scan3A_113, %gather3A_121 : vector<16xf32>
        %xor3A_122 = arith.constant 2 : i32
        %xor3A_123 = vector.broadcast %xor3A_122 : i32 to vector<16xi32>
        %xor3A_124 = arith.xori %iota3A_115, %xor3A_123 : vector<16xi32>
        %broadcast_in_dim3A_125 = vector.shape_cast %xor3A_124 : vector<16xi32> to vector<16x1xi32>
        %gather3A_126 = vector.shape_cast %broadcast_in_dim3A_125 : vector<16x1xi32> to vector<16xi32>
        %gather3A_127 = tpu.dynamic_gather %min3A[%gather3A_126] in [0] : vector<16xf32>, vector<16xi32> -> vector<16xf32>
        %min3A_128 = arith.minimumf %min3A, %gather3A_127 : vector<16xf32>
        %xor3A_129 = arith.constant 4 : i32
        %xor3A_130 = vector.broadcast %xor3A_129 : i32 to vector<16xi32>
        %xor3A_131 = arith.xori %iota3A_115, %xor3A_130 : vector<16xi32>
        %broadcast_in_dim3A_132 = vector.shape_cast %xor3A_131 : vector<16xi32> to vector<16x1xi32>
        %gather3A_133 = vector.shape_cast %broadcast_in_dim3A_132 : vector<16x1xi32> to vector<16xi32>
        %gather3A_134 = tpu.dynamic_gather %min3A_128[%gather3A_133] in [0] : vector<16xf32>, vector<16xi32> -> vector<16xf32>
        %min3A_135 = arith.minimumf %min3A_128, %gather3A_134 : vector<16xf32>
        %xor3A_136 = arith.constant 8 : i32
        %xor3A_137 = vector.broadcast %xor3A_136 : i32 to vector<16xi32>
        %xor3A_138 = arith.xori %iota3A_115, %xor3A_137 : vector<16xi32>
        %broadcast_in_dim3A_139 = vector.shape_cast %xor3A_138 : vector<16xi32> to vector<16x1xi32>
        %gather3A_140 = vector.shape_cast %broadcast_in_dim3A_139 : vector<16x1xi32> to vector<16xi32>
        %gather3A_141 = tpu.dynamic_gather %min3A_135[%gather3A_140] in [0] : vector<16xf32>, vector<16xi32> -> vector<16xf32>
        %min3A_142 = arith.minimumf %min3A_135, %gather3A_141 : vector<16xf32>
        %convert_element_type3A_143 = arith.sitofp %scan3A_68 : i32 to f32
        %eq3A_144 = vector.broadcast %convert_element_type3A_143 : f32 to vector<16xf32>
        %eq3A_145 = arith.cmpf oeq, %convert_element_type3A_21, %eq3A_144 : vector<16xf32>
        %select_n3A = arith.select %eq3A_145, %max3A_106, %scan3A_71 : vector<16xi1>, vector<16xf32>
        %eq3A_146 = vector.broadcast %convert_element_type3A_143 : f32 to vector<16xf32>
        %eq3A_147 = arith.cmpf oeq, %convert_element_type3A_21, %eq3A_146 : vector<16xf32>
        %select_n3A_148 = arith.select %eq3A_147, %min3A_142, %scan3A_72 : vector<16xi1>, vector<16xf32>
        scf.yield %max3A_106, %min3A_142, %select_n3A, %select_n3A_148 : vector<16xf32>, vector<16xf32>, vector<16xf32>, vector<16xf32>
      }
      %scan3A_34 = arith.constant 15 : i32
      %iota3A_35 = tpu.iota {dimensions = array<i32: 0>} : vector<16xi32>
      %convert_element_type3A_36 = arith.sitofp %iota3A_35 : vector<16xi32> to vector<16xf32>
      %broadcast_in_dim3A_37 = arith.constant 0x7F800000 : f32
      %broadcast_in_dim3A_38 = vector.broadcast %broadcast_in_dim3A_37 : f32 to vector<16xf32>
      %broadcast_in_dim3A_39 = arith.constant -1.000000e+00 : f32
      %broadcast_in_dim3A_40 = vector.broadcast %broadcast_in_dim3A_39 : f32 to vector<16xf32>
      %broadcast_in_dim3A_41 = arith.constant 0xFF800000 : f32
      %broadcast_in_dim3A_42 = vector.broadcast %broadcast_in_dim3A_41 : f32 to vector<16xf32>
      %broadcast_in_dim3A_43 = arith.constant 1.000000e+09 : f32
      %broadcast_in_dim3A_44 = vector.broadcast %broadcast_in_dim3A_43 : f32 to vector<16xf32>
      %scan3A_45 = arith.constant 0 : i32
      %scan3A_46 = arith.constant 15 : i32
      %scan3A_47 = arith.addi %scan3A_45, %scan3A_46 : i32
      %scan3A_48 = arith.constant 1 : i32
      %scan3A_49:4 = scf.for %scan3A_68 = %scan3A_45 to %scan3A_47 step %scan3A_48 iter_args(%scan3A_69 = %broadcast_in_dim3A_38, %scan3A_70 = %broadcast_in_dim3A_40, %scan3A_71 = %broadcast_in_dim3A_42, %scan3A_72 = %broadcast_in_dim3A_44) -> (vector<16xf32>, vector<16xf32>, vector<16xf32>, vector<16xf32>)  : i32 {
        %broadcast_in_dim3A_73 = arith.constant 0xFF800000 : f32
        %broadcast_in_dim3A_74 = vector.broadcast %broadcast_in_dim3A_73 : f32 to vector<16xf32>
        %scan3A_75 = arith.constant 0 : i32
        %scan3A_76 = arith.constant 20 : i32
        %scan3A_77 = arith.addi %scan3A_75, %scan3A_76 : i32
        %scan3A_78 = arith.constant 1 : i32
        %scan3A_79 = scf.for %scan3A_149 = %scan3A_75 to %scan3A_77 step %scan3A_78 iter_args(%scan3A_150 = %broadcast_in_dim3A_74) -> (vector<16xf32>)  : i32 {
          %mul3A_151 = arith.constant 16 : i32
          %mul3A_152 = arith.muli %scan3A_149, %mul3A_151 : i32
          %convert_element_type3A_153 = arith.sitofp %mul3A_152 : i32 to f32
          %add3A = arith.addf %convert_element_type3A_19, %convert_element_type3A_153 : f32
          %add3A_154 = vector.broadcast %add3A : f32 to vector<16xf32>
          %add3A_155 = arith.addf %add3A_154, %convert_element_type3A : vector<16xf32>
          %mul3A_156 = arith.constant 16 : i32
          %mul3A_157 = arith.muli %scan3A_149, %mul3A_156 : i32
          %get3A = arith.index_cast %mul3A_157 : i32 to index
          %get3A_158 = tpu.vector_load %arg13[%get3A] {strides = array<i32>} : memref<320xf32, #tpu.memory_space<vmem>>, vector<16xf32>,
          %get3A_159 = vector.shape_cast %get3A_158 : vector<16xf32> to vector<16xf32>
          %lt3A = arith.cmpf olt, %get3A_159, %scan3A_69 : vector<16xf32>
          %eq3A_160 = arith.cmpf oeq, %get3A_159, %scan3A_69 : vector<16xf32>
          %gt3A = arith.cmpf ogt, %add3A_155, %scan3A_70 : vector<16xf32>
          %and3A_161 = arith.andi %eq3A_160, %gt3A : vector<16xi1>
          %or3A = arith.ori %lt3A, %and3A_161 : vector<16xi1>
          %jit3A = arith.constant 0xFF800000 : f32
          %broadcast_in_dim3A_162 = vector.broadcast %jit3A : f32 to vector<16xf32>
          %select_n3A_163 = arith.select %or3A, %get3A_159, %broadcast_in_dim3A_162 : vector<16xi1>, vector<16xf32>
          %max3A_164 = arith.maximumf %scan3A_150, %select_n3A_163 : vector<16xf32>
          scf.yield %max3A_164 : vector<16xf32>
        }
        %scan3A_80 = arith.constant 20 : i32
        %iota3A_81 = tpu.iota {dimensions = array<i32: 0>} : vector<16xi32>
        %xor3A = arith.constant 1 : i32
        %xor3A_82 = vector.broadcast %xor3A : i32 to vector<16xi32>
        %xor3A_83 = arith.xori %iota3A_81, %xor3A_82 : vector<16xi32>
        %broadcast_in_dim3A_84 = vector.shape_cast %xor3A_83 : vector<16xi32> to vector<16x1xi32>
        %gather3A = vector.shape_cast %broadcast_in_dim3A_84 : vector<16x1xi32> to vector<16xi32>
        %gather3A_85 = tpu.dynamic_gather %scan3A_79[%gather3A] in [0] : vector<16xf32>, vector<16xi32> -> vector<16xf32>
        %max3A = arith.maximumf %scan3A_79, %gather3A_85 : vector<16xf32>
        %xor3A_86 = arith.constant 2 : i32
        %xor3A_87 = vector.broadcast %xor3A_86 : i32 to vector<16xi32>
        %xor3A_88 = arith.xori %iota3A_81, %xor3A_87 : vector<16xi32>
        %broadcast_in_dim3A_89 = vector.shape_cast %xor3A_88 : vector<16xi32> to vector<16x1xi32>
        %gather3A_90 = vector.shape_cast %broadcast_in_dim3A_89 : vector<16x1xi32> to vector<16xi32>
        %gather3A_91 = tpu.dynamic_gather %max3A[%gather3A_90] in [0] : vector<16xf32>, vector<16xi32> -> vector<16xf32>
        %max3A_92 = arith.maximumf %max3A, %gather3A_91 : vector<16xf32>
        %xor3A_93 = arith.constant 4 : i32
        %xor3A_94 = vector.broadcast %xor3A_93 : i32 to vector<16xi32>
        %xor3A_95 = arith.xori %iota3A_81, %xor3A_94 : vector<16xi32>
        %broadcast_in_dim3A_96 = vector.shape_cast %xor3A_95 : vector<16xi32> to vector<16x1xi32>
        %gather3A_97 = vector.shape_cast %broadcast_in_dim3A_96 : vector<16x1xi32> to vector<16xi32>
        %gather3A_98 = tpu.dynamic_gather %max3A_92[%gather3A_97] in [0] : vector<16xf32>, vector<16xi32> -> vector<16xf32>
        %max3A_99 = arith.maximumf %max3A_92, %gather3A_98 : vector<16xf32>
        %xor3A_100 = arith.constant 8 : i32
        %xor3A_101 = vector.broadcast %xor3A_100 : i32 to vector<16xi32>
        %xor3A_102 = arith.xori %iota3A_81, %xor3A_101 : vector<16xi32>
        %broadcast_in_dim3A_103 = vector.shape_cast %xor3A_102 : vector<16xi32> to vector<16x1xi32>
        %gather3A_104 = vector.shape_cast %broadcast_in_dim3A_103 : vector<16x1xi32> to vector<16xi32>
        %gather3A_105 = tpu.dynamic_gather %max3A_99[%gather3A_104] in [0] : vector<16xf32>, vector<16xi32> -> vector<16xf32>
        %max3A_106 = arith.maximumf %max3A_99, %gather3A_105 : vector<16xf32>
        %broadcast_in_dim3A_107 = arith.constant 1.000000e+09 : f32
        %broadcast_in_dim3A_108 = vector.broadcast %broadcast_in_dim3A_107 : f32 to vector<16xf32>
        %scan3A_109 = arith.constant 0 : i32
        %scan3A_110 = arith.constant 20 : i32
        %scan3A_111 = arith.addi %scan3A_109, %scan3A_110 : i32
        %scan3A_112 = arith.constant 1 : i32
        %scan3A_113 = scf.for %scan3A_149 = %scan3A_109 to %scan3A_111 step %scan3A_112 iter_args(%scan3A_150 = %broadcast_in_dim3A_108) -> (vector<16xf32>)  : i32 {
          %mul3A_151 = arith.constant 16 : i32
          %mul3A_152 = arith.muli %scan3A_149, %mul3A_151 : i32
          %convert_element_type3A_153 = arith.sitofp %mul3A_152 : i32 to f32
          %add3A = arith.addf %convert_element_type3A_19, %convert_element_type3A_153 : f32
          %add3A_154 = vector.broadcast %add3A : f32 to vector<16xf32>
          %add3A_155 = arith.addf %add3A_154, %convert_element_type3A : vector<16xf32>
          %mul3A_156 = arith.constant 16 : i32
          %mul3A_157 = arith.muli %scan3A_149, %mul3A_156 : i32
          %get3A = arith.index_cast %mul3A_157 : i32 to index
          %get3A_158 = tpu.vector_load %arg13[%get3A] {strides = array<i32>} : memref<320xf32, #tpu.memory_space<vmem>>, vector<16xf32>,
          %get3A_159 = vector.shape_cast %get3A_158 : vector<16xf32> to vector<16xf32>
          %lt3A = arith.cmpf olt, %get3A_159, %scan3A_69 : vector<16xf32>
          %eq3A_160 = arith.cmpf oeq, %get3A_159, %scan3A_69 : vector<16xf32>
          %gt3A = arith.cmpf ogt, %add3A_155, %scan3A_70 : vector<16xf32>
          %and3A_161 = arith.andi %eq3A_160, %gt3A : vector<16xi1>
          %or3A = arith.ori %lt3A, %and3A_161 : vector<16xi1>
          %eq3A_162 = arith.cmpf oeq, %get3A_159, %max3A_106 : vector<16xf32>
          %and3A_163 = arith.andi %or3A, %eq3A_162 : vector<16xi1>
          %jit3A = arith.constant 1.000000e+09 : f32
          %broadcast_in_dim3A_164 = vector.broadcast %jit3A : f32 to vector<16xf32>
          %select_n3A_165 = arith.select %and3A_163, %add3A_155, %broadcast_in_dim3A_164 : vector<16xi1>, vector<16xf32>
          %min3A_166 = arith.minimumf %scan3A_150, %select_n3A_165 : vector<16xf32>
          scf.yield %min3A_166 : vector<16xf32>
        }
        %scan3A_114 = arith.constant 20 : i32
        %iota3A_115 = tpu.iota {dimensions = array<i32: 0>} : vector<16xi32>
        %xor3A_116 = arith.constant 1 : i32
        %xor3A_117 = vector.broadcast %xor3A_116 : i32 to vector<16xi32>
        %xor3A_118 = arith.xori %iota3A_115, %xor3A_117 : vector<16xi32>
        %broadcast_in_dim3A_119 = vector.shape_cast %xor3A_118 : vector<16xi32> to vector<16x1xi32>
        %gather3A_120 = vector.shape_cast %broadcast_in_dim3A_119 : vector<16x1xi32> to vector<16xi32>
        %gather3A_121 = tpu.dynamic_gather %scan3A_113[%gather3A_120] in [0] : vector<16xf32>, vector<16xi32> -> vector<16xf32>
        %min3A = arith.minimumf %scan3A_113, %gather3A_121 : vector<16xf32>
        %xor3A_122 = arith.constant 2 : i32
        %xor3A_123 = vector.broadcast %xor3A_122 : i32 to vector<16xi32>
        %xor3A_124 = arith.xori %iota3A_115, %xor3A_123 : vector<16xi32>
        %broadcast_in_dim3A_125 = vector.shape_cast %xor3A_124 : vector<16xi32> to vector<16x1xi32>
        %gather3A_126 = vector.shape_cast %broadcast_in_dim3A_125 : vector<16x1xi32> to vector<16xi32>
        %gather3A_127 = tpu.dynamic_gather %min3A[%gather3A_126] in [0] : vector<16xf32>, vector<16xi32> -> vector<16xf32>
        %min3A_128 = arith.minimumf %min3A, %gather3A_127 : vector<16xf32>
        %xor3A_129 = arith.constant 4 : i32
        %xor3A_130 = vector.broadcast %xor3A_129 : i32 to vector<16xi32>
        %xor3A_131 = arith.xori %iota3A_115, %xor3A_130 : vector<16xi32>
        %broadcast_in_dim3A_132 = vector.shape_cast %xor3A_131 : vector<16xi32> to vector<16x1xi32>
        %gather3A_133 = vector.shape_cast %broadcast_in_dim3A_132 : vector<16x1xi32> to vector<16xi32>
        %gather3A_134 = tpu.dynamic_gather %min3A_128[%gather3A_133] in [0] : vector<16xf32>, vector<16xi32> -> vector<16xf32>
        %min3A_135 = arith.minimumf %min3A_128, %gather3A_134 : vector<16xf32>
        %xor3A_136 = arith.constant 8 : i32
        %xor3A_137 = vector.broadcast %xor3A_136 : i32 to vector<16xi32>
        %xor3A_138 = arith.xori %iota3A_115, %xor3A_137 : vector<16xi32>
        %broadcast_in_dim3A_139 = vector.shape_cast %xor3A_138 : vector<16xi32> to vector<16x1xi32>
        %gather3A_140 = vector.shape_cast %broadcast_in_dim3A_139 : vector<16x1xi32> to vector<16xi32>
        %gather3A_141 = tpu.dynamic_gather %min3A_135[%gather3A_140] in [0] : vector<16xf32>, vector<16xi32> -> vector<16xf32>
        %min3A_142 = arith.minimumf %min3A_135, %gather3A_141 : vector<16xf32>
        %convert_element_type3A_143 = arith.sitofp %scan3A_68 : i32 to f32
        %eq3A_144 = vector.broadcast %convert_element_type3A_143 : f32 to vector<16xf32>
        %eq3A_145 = arith.cmpf oeq, %convert_element_type3A_36, %eq3A_144 : vector<16xf32>
        %select_n3A = arith.select %eq3A_145, %max3A_106, %scan3A_71 : vector<16xi1>, vector<16xf32>
        %eq3A_146 = vector.broadcast %convert_element_type3A_143 : f32 to vector<16xf32>
        %eq3A_147 = arith.cmpf oeq, %convert_element_type3A_36, %eq3A_146 : vector<16xf32>
        %select_n3A_148 = arith.select %eq3A_147, %min3A_142, %scan3A_72 : vector<16xi1>, vector<16xf32>
        scf.yield %max3A_106, %min3A_142, %select_n3A, %select_n3A_148 : vector<16xf32>, vector<16xf32>, vector<16xf32>, vector<16xf32>
      }
      %scan3A_50 = arith.constant 15 : i32
      %swap3A = arith.constant 0 : index
      %swap3A_51 = tpu.vector_load %arg14[%swap3A] {strides = array<i32>} : memref<64xf32, #tpu.memory_space<vmem>>, vector<16xf32>,
      %swap3A_52 = vector.shape_cast %swap3A_51 : vector<16xf32> to vector<16xf32>
      %swap3A_53 = vector.shape_cast %scan3A_33#2 : vector<16xf32> to vector<16xf32>
      tpu.vector_store %arg14[%swap3A], %swap3A_53 {strides = array<i32>} : memref<64xf32, #tpu.memory_space<vmem>>, vector<16xf32>,
      %swap3A_54 = arith.constant 16 : index
      %swap3A_55 = tpu.vector_load %arg14[%swap3A_54] {strides = array<i32>} : memref<64xf32, #tpu.memory_space<vmem>>, vector<16xf32>,
      %swap3A_56 = vector.shape_cast %swap3A_55 : vector<16xf32> to vector<16xf32>
      %swap3A_57 = vector.shape_cast %scan3A_33#3 : vector<16xf32> to vector<16xf32>
      tpu.vector_store %arg14[%swap3A_54], %swap3A_57 {strides = array<i32>} : memref<64xf32, #tpu.memory_space<vmem>>, vector<16xf32>,
      %swap3A_58 = arith.constant 32 : index
      %swap3A_59 = tpu.vector_load %arg14[%swap3A_58] {strides = array<i32>} : memref<64xf32, #tpu.memory_space<vmem>>, vector<16xf32>,
      %swap3A_60 = vector.shape_cast %swap3A_59 : vector<16xf32> to vector<16xf32>
      %swap3A_61 = vector.shape_cast %scan3A_49#2 : vector<16xf32> to vector<16xf32>
      tpu.vector_store %arg14[%swap3A_58], %swap3A_61 {strides = array<i32>} : memref<64xf32, #tpu.memory_space<vmem>>, vector<16xf32>,
      %swap3A_62 = arith.constant 48 : index
      %swap3A_63 = tpu.vector_load %arg14[%swap3A_62] {strides = array<i32>} : memref<64xf32, #tpu.memory_space<vmem>>, vector<16xf32>,
      %swap3A_64 = vector.shape_cast %swap3A_63 : vector<16xf32> to vector<16xf32>
      %swap3A_65 = vector.shape_cast %scan3A_49#3 : vector<16xf32> to vector<16xf32>
      tpu.vector_store %arg14[%swap3A_62], %swap3A_65 {strides = array<i32>} : memref<64xf32, #tpu.memory_space<vmem>>, vector<16xf32>,
      %mul3A_66 = arith.constant 64 : i32
      %mul3A_67 = arith.muli %arg1, %mul3A_66 : i32
      "tpu.region"() ({
        %run_scoped3A = tpu.sem_alloc : memref<!tpu.dma_semaphore, #tpu.memory_space<semaphore_mem>>
        %dma_start3A = tpu.memref_slice %arg15[%mul3A_67] : memref<1024xf32, #tpu.memory_space<vmem_shared>> -> memref<64xf32, #tpu.memory_space<vmem_shared>>
        %dma_start3A_68 = tpu.memref_slice %arg15[%mul3A_67] : memref<1024xf32, #tpu.memory_space<vmem_shared>> -> memref<64xf32, #tpu.memory_space<vmem_shared>>
        tpu.enqueue_dma source(%arg14 : memref<64xf32, #tpu.memory_space<vmem>>) target(%dma_start3A_68 : memref<64xf32, #tpu.memory_space<vmem_shared>>) target_semaphore(%run_scoped3A : memref<!tpu.dma_semaphore, #tpu.memory_space<semaphore_mem>>)
        %dma_wait3A = tpu.memref_slice %arg15[%mul3A_67] : memref<1024xf32, #tpu.memory_space<vmem_shared>> -> memref<64xf32, #tpu.memory_space<vmem_shared>>
        %dma_wait3A_69 = tpu.memref_slice %arg15[%mul3A_67] : memref<1024xf32, #tpu.memory_space<vmem_shared>> -> memref<64xf32, #tpu.memory_space<vmem_shared>>
        tpu.wait_dma2 semaphore(%run_scoped3A : memref<!tpu.dma_semaphore, #tpu.memory_space<semaphore_mem>>) src(%arg14 : memref<64xf32, #tpu.memory_space<vmem>>) dst(%dma_wait3A_69 : memref<64xf32, #tpu.memory_space<vmem_shared>>)
        tpu.yield
      }) : () -> ()
    } else {
    }
    %barrier3A = arith.constant 0 : index
    tpu.barrier barrier_id(%barrier3A)
    %eq3A_3 = arith.constant 0 : i32
    %eq3A_4 = arith.cmpi eq, %arg0, %eq3A_3 : i32
    %eq3A_5 = arith.constant 0 : i32
    %eq3A_6 = arith.cmpi eq, %arg1, %eq3A_5 : i32
    %and3A = arith.andi %eq3A_4, %eq3A_6 : i1
    %convert_element_type3A_7 = arith.extui %and3A : i1 to i32
    %cond3A_8 = arith.constant 0 : i32
    %cond3A_9 = arith.cmpi ne, %convert_element_type3A_7, %cond3A_8 : i32
    scf.if %cond3A_9 {
      "tpu.region"() ({
        %run_scoped3A = tpu.sem_alloc : memref<!tpu.dma_semaphore, #tpu.memory_space<semaphore_mem>>
        tpu.enqueue_dma source(%arg15 : memref<1024xf32, #tpu.memory_space<vmem_shared>>) target(%arg16 : memref<1024xf32, #tpu.memory_space<vmem>>) target_semaphore(%run_scoped3A : memref<!tpu.dma_semaphore, #tpu.memory_space<semaphore_mem>>)
        tpu.wait_dma2 semaphore(%run_scoped3A : memref<!tpu.dma_semaphore, #tpu.memory_space<semaphore_mem>>) src(%arg15 : memref<1024xf32, #tpu.memory_space<vmem_shared>>) dst(%arg16 : memref<1024xf32, #tpu.memory_space<vmem>>)
        tpu.yield
      }) : () -> ()
      %iota3A_10 = tpu.iota {dimensions = array<i32: 0>} : vector<16xi32>
      %convert_element_type3A_11 = arith.sitofp %iota3A_10 : vector<16xi32> to vector<16xf32>
      %broadcast_in_dim3A = arith.constant 0x7F800000 : f32
      %broadcast_in_dim3A_12 = vector.broadcast %broadcast_in_dim3A : f32 to vector<16xf32>
      %broadcast_in_dim3A_13 = arith.constant -1.000000e+00 : f32
      %broadcast_in_dim3A_14 = vector.broadcast %broadcast_in_dim3A_13 : f32 to vector<16xf32>
      %broadcast_in_dim3A_15 = arith.constant 0xFF800000 : f32
      %broadcast_in_dim3A_16 = vector.broadcast %broadcast_in_dim3A_15 : f32 to vector<16xf32>
      %broadcast_in_dim3A_17 = arith.constant 1.000000e+09 : f32
      %broadcast_in_dim3A_18 = vector.broadcast %broadcast_in_dim3A_17 : f32 to vector<16xf32>
      %scan3A = arith.constant 0 : i32
      %scan3A_19 = arith.constant 15 : i32
      %scan3A_20 = arith.addi %scan3A, %scan3A_19 : i32
      %scan3A_21 = arith.constant 1 : i32
      %scan3A_22:4 = scf.for %scan3A_82 = %scan3A to %scan3A_20 step %scan3A_21 iter_args(%scan3A_83 = %broadcast_in_dim3A_12, %scan3A_84 = %broadcast_in_dim3A_14, %scan3A_85 = %broadcast_in_dim3A_16, %scan3A_86 = %broadcast_in_dim3A_18) -> (vector<16xf32>, vector<16xf32>, vector<16xf32>, vector<16xf32>)  : i32 {
        %broadcast_in_dim3A_87 = arith.constant 0xFF800000 : f32
        %broadcast_in_dim3A_88 = vector.broadcast %broadcast_in_dim3A_87 : f32 to vector<16xf32>
        %scan3A_89 = arith.constant 0 : i32
        %scan3A_90 = arith.constant 16 : i32
        %scan3A_91 = arith.addi %scan3A_89, %scan3A_90 : i32
        %scan3A_92 = arith.constant 1 : i32
        %scan3A_93 = scf.for %scan3A_165 = %scan3A_89 to %scan3A_91 step %scan3A_92 iter_args(%scan3A_166 = %broadcast_in_dim3A_88) -> (vector<16xf32>)  : i32 {
          %mul3A = arith.constant 64 : i32
          %mul3A_167 = arith.muli %scan3A_165, %mul3A : i32
          %add3A = arith.constant 0 : i32
          %add3A_168 = arith.addi %mul3A_167, %add3A : i32
          %get3A = arith.index_cast %add3A_168 : i32 to index
          %get3A_169 = tpu.vector_load %arg16[%get3A] {strides = array<i32>} : memref<1024xf32, #tpu.memory_space<vmem>>, vector<16xf32>,
          %get3A_170 = vector.shape_cast %get3A_169 : vector<16xf32> to vector<16xf32>
          %mul3A_171 = arith.constant 64 : i32
          %mul3A_172 = arith.muli %scan3A_165, %mul3A_171 : i32
          %add3A_173 = arith.constant 0 : i32
          %add3A_174 = arith.addi %mul3A_172, %add3A_173 : i32
          %add3A_175 = arith.constant 16 : i32
          %add3A_176 = arith.addi %add3A_174, %add3A_175 : i32
          %get3A_177 = arith.index_cast %add3A_176 : i32 to index
          %get3A_178 = tpu.vector_load %arg16[%get3A_177] {strides = array<i32>} : memref<1024xf32, #tpu.memory_space<vmem>>, vector<16xf32>,
          %get3A_179 = vector.shape_cast %get3A_178 : vector<16xf32> to vector<16xf32>
          %lt3A = arith.cmpf olt, %get3A_170, %scan3A_83 : vector<16xf32>
          %eq3A_180 = arith.cmpf oeq, %get3A_170, %scan3A_83 : vector<16xf32>
          %gt3A = arith.cmpf ogt, %get3A_179, %scan3A_84 : vector<16xf32>
          %and3A_181 = arith.andi %eq3A_180, %gt3A : vector<16xi1>
          %or3A = arith.ori %lt3A, %and3A_181 : vector<16xi1>
          %jit3A_182 = arith.constant 0xFF800000 : f32
          %broadcast_in_dim3A_183 = vector.broadcast %jit3A_182 : f32 to vector<16xf32>
          %select_n3A_184 = arith.select %or3A, %get3A_170, %broadcast_in_dim3A_183 : vector<16xi1>, vector<16xf32>
          %max3A_185 = arith.maximumf %scan3A_166, %select_n3A_184 : vector<16xf32>
          scf.yield %max3A_185 : vector<16xf32>
        }
        %scan3A_94 = arith.constant 16 : i32
        %iota3A_95 = tpu.iota {dimensions = array<i32: 0>} : vector<16xi32>
        %xor3A = arith.constant 1 : i32
        %xor3A_96 = vector.broadcast %xor3A : i32 to vector<16xi32>
        %xor3A_97 = arith.xori %iota3A_95, %xor3A_96 : vector<16xi32>
        %broadcast_in_dim3A_98 = vector.shape_cast %xor3A_97 : vector<16xi32> to vector<16x1xi32>
        %gather3A = vector.shape_cast %broadcast_in_dim3A_98 : vector<16x1xi32> to vector<16xi32>
        %gather3A_99 = tpu.dynamic_gather %scan3A_93[%gather3A] in [0] : vector<16xf32>, vector<16xi32> -> vector<16xf32>
        %max3A = arith.maximumf %scan3A_93, %gather3A_99 : vector<16xf32>
        %xor3A_100 = arith.constant 2 : i32
        %xor3A_101 = vector.broadcast %xor3A_100 : i32 to vector<16xi32>
        %xor3A_102 = arith.xori %iota3A_95, %xor3A_101 : vector<16xi32>
        %broadcast_in_dim3A_103 = vector.shape_cast %xor3A_102 : vector<16xi32> to vector<16x1xi32>
        %gather3A_104 = vector.shape_cast %broadcast_in_dim3A_103 : vector<16x1xi32> to vector<16xi32>
        %gather3A_105 = tpu.dynamic_gather %max3A[%gather3A_104] in [0] : vector<16xf32>, vector<16xi32> -> vector<16xf32>
        %max3A_106 = arith.maximumf %max3A, %gather3A_105 : vector<16xf32>
        %xor3A_107 = arith.constant 4 : i32
        %xor3A_108 = vector.broadcast %xor3A_107 : i32 to vector<16xi32>
        %xor3A_109 = arith.xori %iota3A_95, %xor3A_108 : vector<16xi32>
        %broadcast_in_dim3A_110 = vector.shape_cast %xor3A_109 : vector<16xi32> to vector<16x1xi32>
        %gather3A_111 = vector.shape_cast %broadcast_in_dim3A_110 : vector<16x1xi32> to vector<16xi32>
        %gather3A_112 = tpu.dynamic_gather %max3A_106[%gather3A_111] in [0] : vector<16xf32>, vector<16xi32> -> vector<16xf32>
        %max3A_113 = arith.maximumf %max3A_106, %gather3A_112 : vector<16xf32>
        %xor3A_114 = arith.constant 8 : i32
        %xor3A_115 = vector.broadcast %xor3A_114 : i32 to vector<16xi32>
        %xor3A_116 = arith.xori %iota3A_95, %xor3A_115 : vector<16xi32>
        %broadcast_in_dim3A_117 = vector.shape_cast %xor3A_116 : vector<16xi32> to vector<16x1xi32>
        %gather3A_118 = vector.shape_cast %broadcast_in_dim3A_117 : vector<16x1xi32> to vector<16xi32>
        %gather3A_119 = tpu.dynamic_gather %max3A_113[%gather3A_118] in [0] : vector<16xf32>, vector<16xi32> -> vector<16xf32>
        %max3A_120 = arith.maximumf %max3A_113, %gather3A_119 : vector<16xf32>
        %broadcast_in_dim3A_121 = arith.constant 1.000000e+09 : f32
        %broadcast_in_dim3A_122 = vector.broadcast %broadcast_in_dim3A_121 : f32 to vector<16xf32>
        %scan3A_123 = arith.constant 0 : i32
        %scan3A_124 = arith.constant 16 : i32
        %scan3A_125 = arith.addi %scan3A_123, %scan3A_124 : i32
        %scan3A_126 = arith.constant 1 : i32
        %scan3A_127 = scf.for %scan3A_165 = %scan3A_123 to %scan3A_125 step %scan3A_126 iter_args(%scan3A_166 = %broadcast_in_dim3A_122) -> (vector<16xf32>)  : i32 {
          %mul3A = arith.constant 64 : i32
          %mul3A_167 = arith.muli %scan3A_165, %mul3A : i32
          %add3A = arith.constant 0 : i32
          %add3A_168 = arith.addi %mul3A_167, %add3A : i32
          %get3A = arith.index_cast %add3A_168 : i32 to index
          %get3A_169 = tpu.vector_load %arg16[%get3A] {strides = array<i32>} : memref<1024xf32, #tpu.memory_space<vmem>>, vector<16xf32>,
          %get3A_170 = vector.shape_cast %get3A_169 : vector<16xf32> to vector<16xf32>
          %mul3A_171 = arith.constant 64 : i32
          %mul3A_172 = arith.muli %scan3A_165, %mul3A_171 : i32
          %add3A_173 = arith.constant 0 : i32
          %add3A_174 = arith.addi %mul3A_172, %add3A_173 : i32
          %add3A_175 = arith.constant 16 : i32
          %add3A_176 = arith.addi %add3A_174, %add3A_175 : i32
          %get3A_177 = arith.index_cast %add3A_176 : i32 to index
          %get3A_178 = tpu.vector_load %arg16[%get3A_177] {strides = array<i32>} : memref<1024xf32, #tpu.memory_space<vmem>>, vector<16xf32>,
          %get3A_179 = vector.shape_cast %get3A_178 : vector<16xf32> to vector<16xf32>
          %lt3A = arith.cmpf olt, %get3A_170, %scan3A_83 : vector<16xf32>
          %eq3A_180 = arith.cmpf oeq, %get3A_170, %scan3A_83 : vector<16xf32>
          %gt3A = arith.cmpf ogt, %get3A_179, %scan3A_84 : vector<16xf32>
          %and3A_181 = arith.andi %eq3A_180, %gt3A : vector<16xi1>
          %or3A = arith.ori %lt3A, %and3A_181 : vector<16xi1>
          %eq3A_182 = arith.cmpf oeq, %get3A_170, %max3A_120 : vector<16xf32>
          %and3A_183 = arith.andi %or3A, %eq3A_182 : vector<16xi1>
          %jit3A_184 = arith.constant 1.000000e+09 : f32
          %broadcast_in_dim3A_185 = vector.broadcast %jit3A_184 : f32 to vector<16xf32>
          %select_n3A_186 = arith.select %and3A_183, %get3A_179, %broadcast_in_dim3A_185 : vector<16xi1>, vector<16xf32>
          %min3A_187 = arith.minimumf %scan3A_166, %select_n3A_186 : vector<16xf32>
          scf.yield %min3A_187 : vector<16xf32>
        }
        %scan3A_128 = arith.constant 16 : i32
        %iota3A_129 = tpu.iota {dimensions = array<i32: 0>} : vector<16xi32>
        %xor3A_130 = arith.constant 1 : i32
        %xor3A_131 = vector.broadcast %xor3A_130 : i32 to vector<16xi32>
        %xor3A_132 = arith.xori %iota3A_129, %xor3A_131 : vector<16xi32>
        %broadcast_in_dim3A_133 = vector.shape_cast %xor3A_132 : vector<16xi32> to vector<16x1xi32>
        %gather3A_134 = vector.shape_cast %broadcast_in_dim3A_133 : vector<16x1xi32> to vector<16xi32>
        %gather3A_135 = tpu.dynamic_gather %scan3A_127[%gather3A_134] in [0] : vector<16xf32>, vector<16xi32> -> vector<16xf32>
        %min3A_136 = arith.minimumf %scan3A_127, %gather3A_135 : vector<16xf32>
        %xor3A_137 = arith.constant 2 : i32
        %xor3A_138 = vector.broadcast %xor3A_137 : i32 to vector<16xi32>
        %xor3A_139 = arith.xori %iota3A_129, %xor3A_138 : vector<16xi32>
        %broadcast_in_dim3A_140 = vector.shape_cast %xor3A_139 : vector<16xi32> to vector<16x1xi32>
        %gather3A_141 = vector.shape_cast %broadcast_in_dim3A_140 : vector<16x1xi32> to vector<16xi32>
        %gather3A_142 = tpu.dynamic_gather %min3A_136[%gather3A_141] in [0] : vector<16xf32>, vector<16xi32> -> vector<16xf32>
        %min3A_143 = arith.minimumf %min3A_136, %gather3A_142 : vector<16xf32>
        %xor3A_144 = arith.constant 4 : i32
        %xor3A_145 = vector.broadcast %xor3A_144 : i32 to vector<16xi32>
        %xor3A_146 = arith.xori %iota3A_129, %xor3A_145 : vector<16xi32>
        %broadcast_in_dim3A_147 = vector.shape_cast %xor3A_146 : vector<16xi32> to vector<16x1xi32>
        %gather3A_148 = vector.shape_cast %broadcast_in_dim3A_147 : vector<16x1xi32> to vector<16xi32>
        %gather3A_149 = tpu.dynamic_gather %min3A_143[%gather3A_148] in [0] : vector<16xf32>, vector<16xi32> -> vector<16xf32>
        %min3A_150 = arith.minimumf %min3A_143, %gather3A_149 : vector<16xf32>
        %xor3A_151 = arith.constant 8 : i32
        %xor3A_152 = vector.broadcast %xor3A_151 : i32 to vector<16xi32>
        %xor3A_153 = arith.xori %iota3A_129, %xor3A_152 : vector<16xi32>
        %broadcast_in_dim3A_154 = vector.shape_cast %xor3A_153 : vector<16xi32> to vector<16x1xi32>
        %gather3A_155 = vector.shape_cast %broadcast_in_dim3A_154 : vector<16x1xi32> to vector<16xi32>
        %gather3A_156 = tpu.dynamic_gather %min3A_150[%gather3A_155] in [0] : vector<16xf32>, vector<16xi32> -> vector<16xf32>
        %min3A_157 = arith.minimumf %min3A_150, %gather3A_156 : vector<16xf32>
        %convert_element_type3A_158 = arith.sitofp %scan3A_82 : i32 to f32
        %eq3A_159 = vector.broadcast %convert_element_type3A_158 : f32 to vector<16xf32>
        %eq3A_160 = arith.cmpf oeq, %convert_element_type3A_11, %eq3A_159 : vector<16xf32>
        %select_n3A_161 = arith.select %eq3A_160, %max3A_120, %scan3A_85 : vector<16xi1>, vector<16xf32>
        %eq3A_162 = vector.broadcast %convert_element_type3A_158 : f32 to vector<16xf32>
        %eq3A_163 = arith.cmpf oeq, %convert_element_type3A_11, %eq3A_162 : vector<16xf32>
        %select_n3A_164 = arith.select %eq3A_163, %min3A_157, %scan3A_86 : vector<16xi1>, vector<16xf32>
        scf.yield %max3A_120, %min3A_157, %select_n3A_161, %select_n3A_164 : vector<16xf32>, vector<16xf32>, vector<16xf32>, vector<16xf32>
      }
      %scan3A_23 = arith.constant 15 : i32
      %iota3A_24 = tpu.iota {dimensions = array<i32: 0>} : vector<16xi32>
      %convert_element_type3A_25 = arith.sitofp %iota3A_24 : vector<16xi32> to vector<16xf32>
      %broadcast_in_dim3A_26 = arith.constant 0x7F800000 : f32
      %broadcast_in_dim3A_27 = vector.broadcast %broadcast_in_dim3A_26 : f32 to vector<16xf32>
      %broadcast_in_dim3A_28 = arith.constant -1.000000e+00 : f32
      %broadcast_in_dim3A_29 = vector.broadcast %broadcast_in_dim3A_28 : f32 to vector<16xf32>
      %broadcast_in_dim3A_30 = arith.constant 0xFF800000 : f32
      %broadcast_in_dim3A_31 = vector.broadcast %broadcast_in_dim3A_30 : f32 to vector<16xf32>
      %broadcast_in_dim3A_32 = arith.constant 1.000000e+09 : f32
      %broadcast_in_dim3A_33 = vector.broadcast %broadcast_in_dim3A_32 : f32 to vector<16xf32>
      %scan3A_34 = arith.constant 0 : i32
      %scan3A_35 = arith.constant 15 : i32
      %scan3A_36 = arith.addi %scan3A_34, %scan3A_35 : i32
      %scan3A_37 = arith.constant 1 : i32
      %scan3A_38:4 = scf.for %scan3A_82 = %scan3A_34 to %scan3A_36 step %scan3A_37 iter_args(%scan3A_83 = %broadcast_in_dim3A_27, %scan3A_84 = %broadcast_in_dim3A_29, %scan3A_85 = %broadcast_in_dim3A_31, %scan3A_86 = %broadcast_in_dim3A_33) -> (vector<16xf32>, vector<16xf32>, vector<16xf32>, vector<16xf32>)  : i32 {
        %broadcast_in_dim3A_87 = arith.constant 0xFF800000 : f32
        %broadcast_in_dim3A_88 = vector.broadcast %broadcast_in_dim3A_87 : f32 to vector<16xf32>
        %scan3A_89 = arith.constant 0 : i32
        %scan3A_90 = arith.constant 16 : i32
        %scan3A_91 = arith.addi %scan3A_89, %scan3A_90 : i32
        %scan3A_92 = arith.constant 1 : i32
        %scan3A_93 = scf.for %scan3A_165 = %scan3A_89 to %scan3A_91 step %scan3A_92 iter_args(%scan3A_166 = %broadcast_in_dim3A_88) -> (vector<16xf32>)  : i32 {
          %mul3A = arith.constant 64 : i32
          %mul3A_167 = arith.muli %scan3A_165, %mul3A : i32
          %add3A = arith.constant 32 : i32
          %add3A_168 = arith.addi %mul3A_167, %add3A : i32
          %get3A = arith.index_cast %add3A_168 : i32 to index
          %get3A_169 = tpu.vector_load %arg16[%get3A] {strides = array<i32>} : memref<1024xf32, #tpu.memory_space<vmem>>, vector<16xf32>,
          %get3A_170 = vector.shape_cast %get3A_169 : vector<16xf32> to vector<16xf32>
          %mul3A_171 = arith.constant 64 : i32
          %mul3A_172 = arith.muli %scan3A_165, %mul3A_171 : i32
          %add3A_173 = arith.constant 32 : i32
          %add3A_174 = arith.addi %mul3A_172, %add3A_173 : i32
          %add3A_175 = arith.constant 16 : i32
          %add3A_176 = arith.addi %add3A_174, %add3A_175 : i32
          %get3A_177 = arith.index_cast %add3A_176 : i32 to index
          %get3A_178 = tpu.vector_load %arg16[%get3A_177] {strides = array<i32>} : memref<1024xf32, #tpu.memory_space<vmem>>, vector<16xf32>,
          %get3A_179 = vector.shape_cast %get3A_178 : vector<16xf32> to vector<16xf32>
          %lt3A = arith.cmpf olt, %get3A_170, %scan3A_83 : vector<16xf32>
          %eq3A_180 = arith.cmpf oeq, %get3A_170, %scan3A_83 : vector<16xf32>
          %gt3A = arith.cmpf ogt, %get3A_179, %scan3A_84 : vector<16xf32>
          %and3A_181 = arith.andi %eq3A_180, %gt3A : vector<16xi1>
          %or3A = arith.ori %lt3A, %and3A_181 : vector<16xi1>
          %jit3A_182 = arith.constant 0xFF800000 : f32
          %broadcast_in_dim3A_183 = vector.broadcast %jit3A_182 : f32 to vector<16xf32>
          %select_n3A_184 = arith.select %or3A, %get3A_170, %broadcast_in_dim3A_183 : vector<16xi1>, vector<16xf32>
          %max3A_185 = arith.maximumf %scan3A_166, %select_n3A_184 : vector<16xf32>
          scf.yield %max3A_185 : vector<16xf32>
        }
        %scan3A_94 = arith.constant 16 : i32
        %iota3A_95 = tpu.iota {dimensions = array<i32: 0>} : vector<16xi32>
        %xor3A = arith.constant 1 : i32
        %xor3A_96 = vector.broadcast %xor3A : i32 to vector<16xi32>
        %xor3A_97 = arith.xori %iota3A_95, %xor3A_96 : vector<16xi32>
        %broadcast_in_dim3A_98 = vector.shape_cast %xor3A_97 : vector<16xi32> to vector<16x1xi32>
        %gather3A = vector.shape_cast %broadcast_in_dim3A_98 : vector<16x1xi32> to vector<16xi32>
        %gather3A_99 = tpu.dynamic_gather %scan3A_93[%gather3A] in [0] : vector<16xf32>, vector<16xi32> -> vector<16xf32>
        %max3A = arith.maximumf %scan3A_93, %gather3A_99 : vector<16xf32>
        %xor3A_100 = arith.constant 2 : i32
        %xor3A_101 = vector.broadcast %xor3A_100 : i32 to vector<16xi32>
        %xor3A_102 = arith.xori %iota3A_95, %xor3A_101 : vector<16xi32>
        %broadcast_in_dim3A_103 = vector.shape_cast %xor3A_102 : vector<16xi32> to vector<16x1xi32>
        %gather3A_104 = vector.shape_cast %broadcast_in_dim3A_103 : vector<16x1xi32> to vector<16xi32>
        %gather3A_105 = tpu.dynamic_gather %max3A[%gather3A_104] in [0] : vector<16xf32>, vector<16xi32> -> vector<16xf32>
        %max3A_106 = arith.maximumf %max3A, %gather3A_105 : vector<16xf32>
        %xor3A_107 = arith.constant 4 : i32
        %xor3A_108 = vector.broadcast %xor3A_107 : i32 to vector<16xi32>
        %xor3A_109 = arith.xori %iota3A_95, %xor3A_108 : vector<16xi32>
        %broadcast_in_dim3A_110 = vector.shape_cast %xor3A_109 : vector<16xi32> to vector<16x1xi32>
        %gather3A_111 = vector.shape_cast %broadcast_in_dim3A_110 : vector<16x1xi32> to vector<16xi32>
        %gather3A_112 = tpu.dynamic_gather %max3A_106[%gather3A_111] in [0] : vector<16xf32>, vector<16xi32> -> vector<16xf32>
        %max3A_113 = arith.maximumf %max3A_106, %gather3A_112 : vector<16xf32>
        %xor3A_114 = arith.constant 8 : i32
        %xor3A_115 = vector.broadcast %xor3A_114 : i32 to vector<16xi32>
        %xor3A_116 = arith.xori %iota3A_95, %xor3A_115 : vector<16xi32>
        %broadcast_in_dim3A_117 = vector.shape_cast %xor3A_116 : vector<16xi32> to vector<16x1xi32>
        %gather3A_118 = vector.shape_cast %broadcast_in_dim3A_117 : vector<16x1xi32> to vector<16xi32>
        %gather3A_119 = tpu.dynamic_gather %max3A_113[%gather3A_118] in [0] : vector<16xf32>, vector<16xi32> -> vector<16xf32>
        %max3A_120 = arith.maximumf %max3A_113, %gather3A_119 : vector<16xf32>
        %broadcast_in_dim3A_121 = arith.constant 1.000000e+09 : f32
        %broadcast_in_dim3A_122 = vector.broadcast %broadcast_in_dim3A_121 : f32 to vector<16xf32>
        %scan3A_123 = arith.constant 0 : i32
        %scan3A_124 = arith.constant 16 : i32
        %scan3A_125 = arith.addi %scan3A_123, %scan3A_124 : i32
        %scan3A_126 = arith.constant 1 : i32
        %scan3A_127 = scf.for %scan3A_165 = %scan3A_123 to %scan3A_125 step %scan3A_126 iter_args(%scan3A_166 = %broadcast_in_dim3A_122) -> (vector<16xf32>)  : i32 {
          %mul3A = arith.constant 64 : i32
          %mul3A_167 = arith.muli %scan3A_165, %mul3A : i32
          %add3A = arith.constant 32 : i32
          %add3A_168 = arith.addi %mul3A_167, %add3A : i32
          %get3A = arith.index_cast %add3A_168 : i32 to index
          %get3A_169 = tpu.vector_load %arg16[%get3A] {strides = array<i32>} : memref<1024xf32, #tpu.memory_space<vmem>>, vector<16xf32>,
          %get3A_170 = vector.shape_cast %get3A_169 : vector<16xf32> to vector<16xf32>
          %mul3A_171 = arith.constant 64 : i32
          %mul3A_172 = arith.muli %scan3A_165, %mul3A_171 : i32
          %add3A_173 = arith.constant 32 : i32
          %add3A_174 = arith.addi %mul3A_172, %add3A_173 : i32
          %add3A_175 = arith.constant 16 : i32
          %add3A_176 = arith.addi %add3A_174, %add3A_175 : i32
          %get3A_177 = arith.index_cast %add3A_176 : i32 to index
          %get3A_178 = tpu.vector_load %arg16[%get3A_177] {strides = array<i32>} : memref<1024xf32, #tpu.memory_space<vmem>>, vector<16xf32>,
          %get3A_179 = vector.shape_cast %get3A_178 : vector<16xf32> to vector<16xf32>
          %lt3A = arith.cmpf olt, %get3A_170, %scan3A_83 : vector<16xf32>
          %eq3A_180 = arith.cmpf oeq, %get3A_170, %scan3A_83 : vector<16xf32>
          %gt3A = arith.cmpf ogt, %get3A_179, %scan3A_84 : vector<16xf32>
          %and3A_181 = arith.andi %eq3A_180, %gt3A : vector<16xi1>
          %or3A = arith.ori %lt3A, %and3A_181 : vector<16xi1>
          %eq3A_182 = arith.cmpf oeq, %get3A_170, %max3A_120 : vector<16xf32>
          %and3A_183 = arith.andi %or3A, %eq3A_182 : vector<16xi1>
          %jit3A_184 = arith.constant 1.000000e+09 : f32
          %broadcast_in_dim3A_185 = vector.broadcast %jit3A_184 : f32 to vector<16xf32>
          %select_n3A_186 = arith.select %and3A_183, %get3A_179, %broadcast_in_dim3A_185 : vector<16xi1>, vector<16xf32>
          %min3A_187 = arith.minimumf %scan3A_166, %select_n3A_186 : vector<16xf32>
          scf.yield %min3A_187 : vector<16xf32>
        }
        %scan3A_128 = arith.constant 16 : i32
        %iota3A_129 = tpu.iota {dimensions = array<i32: 0>} : vector<16xi32>
        %xor3A_130 = arith.constant 1 : i32
        %xor3A_131 = vector.broadcast %xor3A_130 : i32 to vector<16xi32>
        %xor3A_132 = arith.xori %iota3A_129, %xor3A_131 : vector<16xi32>
        %broadcast_in_dim3A_133 = vector.shape_cast %xor3A_132 : vector<16xi32> to vector<16x1xi32>
        %gather3A_134 = vector.shape_cast %broadcast_in_dim3A_133 : vector<16x1xi32> to vector<16xi32>
        %gather3A_135 = tpu.dynamic_gather %scan3A_127[%gather3A_134] in [0] : vector<16xf32>, vector<16xi32> -> vector<16xf32>
        %min3A_136 = arith.minimumf %scan3A_127, %gather3A_135 : vector<16xf32>
        %xor3A_137 = arith.constant 2 : i32
        %xor3A_138 = vector.broadcast %xor3A_137 : i32 to vector<16xi32>
        %xor3A_139 = arith.xori %iota3A_129, %xor3A_138 : vector<16xi32>
        %broadcast_in_dim3A_140 = vector.shape_cast %xor3A_139 : vector<16xi32> to vector<16x1xi32>
        %gather3A_141 = vector.shape_cast %broadcast_in_dim3A_140 : vector<16x1xi32> to vector<16xi32>
        %gather3A_142 = tpu.dynamic_gather %min3A_136[%gather3A_141] in [0] : vector<16xf32>, vector<16xi32> -> vector<16xf32>
        %min3A_143 = arith.minimumf %min3A_136, %gather3A_142 : vector<16xf32>
        %xor3A_144 = arith.constant 4 : i32
        %xor3A_145 = vector.broadcast %xor3A_144 : i32 to vector<16xi32>
        %xor3A_146 = arith.xori %iota3A_129, %xor3A_145 : vector<16xi32>
        %broadcast_in_dim3A_147 = vector.shape_cast %xor3A_146 : vector<16xi32> to vector<16x1xi32>
        %gather3A_148 = vector.shape_cast %broadcast_in_dim3A_147 : vector<16x1xi32> to vector<16xi32>
        %gather3A_149 = tpu.dynamic_gather %min3A_143[%gather3A_148] in [0] : vector<16xf32>, vector<16xi32> -> vector<16xf32>
        %min3A_150 = arith.minimumf %min3A_143, %gather3A_149 : vector<16xf32>
        %xor3A_151 = arith.constant 8 : i32
        %xor3A_152 = vector.broadcast %xor3A_151 : i32 to vector<16xi32>
        %xor3A_153 = arith.xori %iota3A_129, %xor3A_152 : vector<16xi32>
        %broadcast_in_dim3A_154 = vector.shape_cast %xor3A_153 : vector<16xi32> to vector<16x1xi32>
        %gather3A_155 = vector.shape_cast %broadcast_in_dim3A_154 : vector<16x1xi32> to vector<16xi32>
        %gather3A_156 = tpu.dynamic_gather %min3A_150[%gather3A_155] in [0] : vector<16xf32>, vector<16xi32> -> vector<16xf32>
        %min3A_157 = arith.minimumf %min3A_150, %gather3A_156 : vector<16xf32>
        %convert_element_type3A_158 = arith.sitofp %scan3A_82 : i32 to f32
        %eq3A_159 = vector.broadcast %convert_element_type3A_158 : f32 to vector<16xf32>
        %eq3A_160 = arith.cmpf oeq, %convert_element_type3A_25, %eq3A_159 : vector<16xf32>
        %select_n3A_161 = arith.select %eq3A_160, %max3A_120, %scan3A_85 : vector<16xi1>, vector<16xf32>
        %eq3A_162 = vector.broadcast %convert_element_type3A_158 : f32 to vector<16xf32>
        %eq3A_163 = arith.cmpf oeq, %convert_element_type3A_25, %eq3A_162 : vector<16xf32>
        %select_n3A_164 = arith.select %eq3A_163, %min3A_157, %scan3A_86 : vector<16xi1>, vector<16xf32>
        scf.yield %max3A_120, %min3A_157, %select_n3A_161, %select_n3A_164 : vector<16xf32>, vector<16xf32>, vector<16xf32>, vector<16xf32>
      }
      %scan3A_39 = arith.constant 15 : i32
      %min3A = arith.constant 1.000000e+09 : f32
      %min3A_40 = vector.broadcast %min3A : f32 to vector<16xf32>
      %min3A_41 = arith.minimumf %scan3A_22#3, %min3A_40 : vector<16xf32>
      %convert_element_type3A_42 = arith.fptosi %min3A_41 : vector<16xf32> to vector<16xi32>
      %min3A_43 = arith.constant 1.000000e+09 : f32
      %min3A_44 = vector.broadcast %min3A_43 : f32 to vector<16xf32>
      %min3A_45 = arith.minimumf %scan3A_38#3, %min3A_44 : vector<16xf32>
      %convert_element_type3A_46 = arith.fptosi %min3A_45 : vector<16xf32> to vector<16xi32>
      %ge3A = arith.constant 5120 : i32
      %ge3A_47 = vector.broadcast %ge3A : i32 to vector<16xi32>
      %ge3A_48 = arith.cmpi sge, %convert_element_type3A_42, %ge3A_47 : vector<16xi32>
      %jit3A = arith.constant 0 : i32
      %broadcast_in_dim3A_49 = vector.broadcast %jit3A : i32 to vector<16xi32>
      %select_n3A = arith.select %ge3A_48, %broadcast_in_dim3A_49, %convert_element_type3A_42 : vector<16xi1>, vector<16xi32>
      %ge3A_50 = arith.constant 5120 : i32
      %ge3A_51 = vector.broadcast %ge3A_50 : i32 to vector<16xi32>
      %ge3A_52 = arith.cmpi sge, %convert_element_type3A_46, %ge3A_51 : vector<16xi32>
      %jit3A_53 = arith.constant 0 : i32
      %broadcast_in_dim3A_54 = vector.broadcast %jit3A_53 : i32 to vector<16xi32>
      %select_n3A_55 = arith.select %ge3A_52, %broadcast_in_dim3A_54, %convert_element_type3A_46 : vector<16xi1>, vector<16xi32>
      %swap3A = arith.constant 0 : index
      %swap3A_56 = tpu.vector_load %arg17[%swap3A] {strides = array<i32>} : memref<32xi32, #tpu.memory_space<vmem>>, vector<16xi32>,
      %swap3A_57 = vector.shape_cast %swap3A_56 : vector<16xi32> to vector<16xi32>
      %swap3A_58 = vector.shape_cast %select_n3A : vector<16xi32> to vector<16xi32>
      tpu.vector_store %arg17[%swap3A], %swap3A_58 {strides = array<i32>} : memref<32xi32, #tpu.memory_space<vmem>>, vector<16xi32>,
      %swap3A_59 = arith.constant 16 : index
      %swap3A_60 = tpu.vector_load %arg17[%swap3A_59] {strides = array<i32>} : memref<32xi32, #tpu.memory_space<vmem>>, vector<16xi32>,
      %swap3A_61 = vector.shape_cast %swap3A_60 : vector<16xi32> to vector<16xi32>
      %swap3A_62 = vector.shape_cast %select_n3A_55 : vector<16xi32> to vector<16xi32>
      tpu.vector_store %arg17[%swap3A_59], %swap3A_62 {strides = array<i32>} : memref<32xi32, #tpu.memory_space<vmem>>, vector<16xi32>,
      %dma_start3A = arith.constant 0 : i32
      %dma_start3A_63 = arith.constant 0 : i32
      %dma_start3A_64 = tpu.memref_slice %arg6[%dma_start3A, %dma_start3A_63] : memref<5000x256xf32, #tpu.memory_space<hbm>> -> memref<5000x256xf32, #tpu.memory_space<hbm>>
      tpu.enqueue_indirect_dma source(%dma_start3A_64 : memref<5000x256xf32, #tpu.memory_space<hbm>>) target(%arg18 : memref<32x256xf32, #tpu.memory_space<vmem>>) offsets(%arg17 : memref<32xi32, #tpu.memory_space<vmem>>) semaphore(%arg20 : memref<!tpu.dma_semaphore, #tpu.memory_space<semaphore_mem>>)
      %dma_wait3A = arith.constant 0 : i32
      %dma_wait3A_65 = arith.constant 0 : i32
      %dma_wait3A_66 = tpu.memref_slice %arg6[%dma_wait3A, %dma_wait3A_65] : memref<5000x256xf32, #tpu.memory_space<hbm>> -> memref<5000x256xf32, #tpu.memory_space<hbm>>
      tpu.wait_indirect_dma semaphore(%arg20 : memref<!tpu.dma_semaphore, #tpu.memory_space<semaphore_mem>>) src(%dma_wait3A_66 : memref<5000x256xf32, #tpu.memory_space<hbm>>) dst(%arg18 : memref<32x256xf32, #tpu.memory_space<vmem>>)
      %dma_start3A_67 = arith.constant 0 : i32
      %dma_start3A_68 = arith.constant 0 : i32
      %dma_start3A_69 = tpu.memref_slice %arg5[%dma_start3A_67, %dma_start3A_68] : memref<5120x128xf32, #tpu.memory_space<hbm>> -> memref<5120x128xf32, #tpu.memory_space<hbm>>
      tpu.enqueue_indirect_dma source(%dma_start3A_69 : memref<5120x128xf32, #tpu.memory_space<hbm>>) target(%arg19 : memref<32x128xf32, #tpu.memory_space<vmem>>) offsets(%arg17 : memref<32xi32, #tpu.memory_space<vmem>>) semaphore(%arg20 : memref<!tpu.dma_semaphore, #tpu.memory_space<semaphore_mem>>)
      %dma_wait3A_70 = arith.constant 0 : i32
      %dma_wait3A_71 = arith.constant 0 : i32
      %dma_wait3A_72 = tpu.memref_slice %arg5[%dma_wait3A_70, %dma_wait3A_71] : memref<5120x128xf32, #tpu.memory_space<hbm>> -> memref<5120x128xf32, #tpu.memory_space<hbm>>
      tpu.wait_indirect_dma semaphore(%arg20 : memref<!tpu.dma_semaphore, #tpu.memory_space<semaphore_mem>>) src(%dma_wait3A_72 : memref<5120x128xf32, #tpu.memory_space<hbm>>) dst(%arg19 : memref<32x128xf32, #tpu.memory_space<vmem>>)
      %broadcast_in_dim3A_73 = arith.constant 4 : i32
      %broadcast_in_dim3A_74 = vector.broadcast %broadcast_in_dim3A_73 : i32 to vector<16xi32>
      %scan3A_75 = arith.constant 0 : i32
      %scan3A_76 = arith.constant 0 : i32
      %scan3A_77 = arith.constant 16 : i32
      %scan3A_78 = arith.addi %scan3A_76, %scan3A_77 : i32
      %scan3A_79 = arith.constant 1 : i32
      %scan3A_80 = scf.for %scan3A_82 = %scan3A_76 to %scan3A_78 step %scan3A_79 iter_args(%scan3A_83 = %scan3A_75) -> (i32)  : i32 {
        %get3A = arith.index_cast %scan3A_82 : i32 to index
        %get3A_84 = arith.constant 0 : index
        %get3A_85 = tpu.vector_load %arg19[%get3A, %get3A_84] {strides = array<i32>} : memref<32x128xf32, #tpu.memory_space<vmem>>, vector<1x16xf32>,
        %get3A_86 = vector.shape_cast %get3A_85 : vector<1x16xf32> to vector<16xf32>
        %add3A = arith.constant 16 : i32
        %add3A_87 = arith.addi %scan3A_82, %add3A : i32
        %get3A_88 = arith.index_cast %add3A_87 : i32 to index
        %get3A_89 = arith.constant 0 : index
        %get3A_90 = tpu.vector_load %arg19[%get3A_88, %get3A_89] {strides = array<i32>} : memref<32x128xf32, #tpu.memory_space<vmem>>, vector<1x16xf32>,
        %get3A_91 = vector.shape_cast %get3A_90 : vector<1x16xf32> to vector<16xf32>
        %broadcast_in_dim3A_92 = vector.shape_cast %broadcast_in_dim3A_74 : vector<16xi32> to vector<16x1xi32>
        %gather3A = vector.shape_cast %broadcast_in_dim3A_92 : vector<16x1xi32> to vector<16xi32>
        %gather3A_93 = tpu.dynamic_gather %get3A_86[%gather3A] in [0] : vector<16xf32>, vector<16xi32> -> vector<16xf32>
        %broadcast_in_dim3A_94 = vector.shape_cast %broadcast_in_dim3A_74 : vector<16xi32> to vector<16x1xi32>
        %gather3A_95 = vector.shape_cast %broadcast_in_dim3A_94 : vector<16x1xi32> to vector<16xi32>
        %gather3A_96 = tpu.dynamic_gather %get3A_91[%gather3A_95] in [0] : vector<16xf32>, vector<16xi32> -> vector<16xf32>
        %neg3A = arith.constant 0.000000e+00 : f32
        %neg3A_97 = vector.broadcast %neg3A : f32 to vector<16xf32>
        %neg3A_98 = arith.subf %neg3A_97, %gather3A_93 : vector<16xf32>
        %exp3A = math.exp %neg3A_98 : vector<16xf32>
        %add3A_99 = arith.constant 1.000000e+00 : f32
        %add3A_100 = vector.broadcast %add3A_99 : f32 to vector<16xf32>
        %add3A_101 = arith.addf %add3A_100, %exp3A : vector<16xf32>
        %div3A = arith.constant 1.000000e+00 : f32
        %div3A_102 = vector.broadcast %div3A : f32 to vector<16xf32>
        %div3A_103 = arith.divf %div3A_102, %add3A_101 : vector<16xf32>
        %neg3A_104 = arith.constant 0.000000e+00 : f32
        %neg3A_105 = vector.broadcast %neg3A_104 : f32 to vector<16xf32>
        %neg3A_106 = arith.subf %neg3A_105, %gather3A_96 : vector<16xf32>
        %exp3A_107 = math.exp %neg3A_106 : vector<16xf32>
        %add3A_108 = arith.constant 1.000000e+00 : f32
        %add3A_109 = vector.broadcast %add3A_108 : f32 to vector<16xf32>
        %add3A_110 = arith.addf %add3A_109, %exp3A_107 : vector<16xf32>
        %div3A_111 = arith.constant 1.000000e+00 : f32
        %div3A_112 = vector.broadcast %div3A_111 : f32 to vector<16xf32>
        %div3A_113 = arith.divf %div3A_112, %add3A_110 : vector<16xf32>
        %scan3A_114 = arith.constant 0 : i32
        %scan3A_115 = arith.constant 0 : i32
        %scan3A_116 = arith.constant 16 : i32
        %scan3A_117 = arith.addi %scan3A_115, %scan3A_116 : i32
        %scan3A_118 = arith.constant 1 : i32
        %scan3A_119 = scf.for %scan3A_122 = %scan3A_115 to %scan3A_117 step %scan3A_118 iter_args(%scan3A_123 = %scan3A_114) -> (i32)  : i32 {
          %mul3A = arith.constant 16 : i32
          %mul3A_124 = arith.muli %scan3A_122, %mul3A : i32
          %get3A_125 = arith.index_cast %scan3A_82 : i32 to index
          %get3A_126 = arith.index_cast %mul3A_124 : i32 to index
          %get3A_127 = tpu.vector_load %arg18[%get3A_125, %get3A_126] {strides = array<i32>} : memref<32x256xf32, #tpu.memory_space<vmem>>, vector<1x16xf32>,
          %get3A_128 = vector.shape_cast %get3A_127 : vector<1x16xf32> to vector<16xf32>
          %mul3A_129 = arith.mulf %get3A_128, %div3A_103 : vector<16xf32>
          %mul3A_130 = arith.constant 16 : i32
          %mul3A_131 = arith.muli %scan3A_122, %mul3A_130 : i32
          %swap3A_132 = arith.index_cast %scan3A_82 : i32 to index
          %swap3A_133 = arith.index_cast %mul3A_131 : i32 to index
          %swap3A_134 = tpu.vector_load %arg18[%swap3A_132, %swap3A_133] {strides = array<i32>} : memref<32x256xf32, #tpu.memory_space<vmem>>, vector<1x16xf32>,
          %swap3A_135 = vector.shape_cast %swap3A_134 : vector<1x16xf32> to vector<16xf32>
          %swap3A_136 = vector.shape_cast %mul3A_129 : vector<16xf32> to vector<1x16xf32>
          tpu.vector_store %arg18[%swap3A_132, %swap3A_133], %swap3A_136 {strides = array<i32>} : memref<32x256xf32, #tpu.memory_space<vmem>>, vector<1x16xf32>,
          %add3A_137 = arith.constant 16 : i32
          %add3A_138 = arith.addi %scan3A_82, %add3A_137 : i32
          %mul3A_139 = arith.constant 16 : i32
          %mul3A_140 = arith.muli %scan3A_122, %mul3A_139 : i32
          %get3A_141 = arith.index_cast %add3A_138 : i32 to index
          %get3A_142 = arith.index_cast %mul3A_140 : i32 to index
          %get3A_143 = tpu.vector_load %arg18[%get3A_141, %get3A_142] {strides = array<i32>} : memref<32x256xf32, #tpu.memory_space<vmem>>, vector<1x16xf32>,
          %get3A_144 = vector.shape_cast %get3A_143 : vector<1x16xf32> to vector<16xf32>
          %mul3A_145 = arith.mulf %get3A_144, %div3A_113 : vector<16xf32>
          %mul3A_146 = arith.constant 16 : i32
          %mul3A_147 = arith.muli %scan3A_122, %mul3A_146 : i32
          %swap3A_148 = arith.index_cast %add3A_138 : i32 to index
          %swap3A_149 = arith.index_cast %mul3A_147 : i32 to index
          %swap3A_150 = tpu.vector_load %arg18[%swap3A_148, %swap3A_149] {strides = array<i32>} : memref<32x256xf32, #tpu.memory_space<vmem>>, vector<1x16xf32>,
          %swap3A_151 = vector.shape_cast %swap3A_150 : vector<1x16xf32> to vector<16xf32>
          %swap3A_152 = vector.shape_cast %mul3A_145 : vector<16xf32> to vector<1x16xf32>
          tpu.vector_store %arg18[%swap3A_148, %swap3A_149], %swap3A_152 {strides = array<i32>} : memref<32x256xf32, #tpu.memory_space<vmem>>, vector<1x16xf32>,
          %scan3A_153 = arith.constant 0 : i32
          scf.yield %scan3A_153 : i32
        }
        %scan3A_120 = arith.constant 16 : i32
        %scan3A_121 = arith.constant 0 : i32
        scf.yield %scan3A_121 : i32
      }
      %scan3A_81 = arith.constant 16 : i32
      "tpu.region"() ({
        %run_scoped3A = tpu.sem_alloc : memref<!tpu.dma_semaphore, #tpu.memory_space<semaphore_mem>>
        tpu.enqueue_dma source(%arg18 : memref<32x256xf32, #tpu.memory_space<vmem>>) target(%arg7 : memref<32x256xf32, #tpu.memory_space<hbm>>) target_semaphore(%run_scoped3A : memref<!tpu.dma_semaphore, #tpu.memory_space<semaphore_mem>>)
        tpu.wait_dma2 semaphore(%run_scoped3A : memref<!tpu.dma_semaphore, #tpu.memory_space<semaphore_mem>>) src(%arg18 : memref<32x256xf32, #tpu.memory_space<vmem>>) dst(%arg7 : memref<32x256xf32, #tpu.memory_space<hbm>>)
        tpu.yield
      }) : () -> ()
      "tpu.region"() ({
        %run_scoped3A = tpu.sem_alloc : memref<!tpu.dma_semaphore, #tpu.memory_space<semaphore_mem>>
        tpu.enqueue_dma source(%arg19 : memref<32x128xf32, #tpu.memory_space<vmem>>) target(%arg8 : memref<32x128xf32, #tpu.memory_space<hbm>>) target_semaphore(%run_scoped3A : memref<!tpu.dma_semaphore, #tpu.memory_space<semaphore_mem>>)
        tpu.wait_dma2 semaphore(%run_scoped3A : memref<!tpu.dma_semaphore, #tpu.memory_space<semaphore_mem>>) src(%arg19 : memref<32x128xf32, #tpu.memory_space<vmem>>) dst(%arg8 : memref<32x128xf32, #tpu.memory_space<hbm>>)
        tpu.yield
      }) : () -> ()
    } else {
    }
    return
  }
}

module attributes {stable_mosaic.version = 14 : i64} {
  func.func @_nms_kernel(%arg0: memref<5120x8xf32, #tpu.memory_space<vmem>>, %arg1: memref<8x5120xf32, #tpu.memory_space<vmem>>, %arg2: memref<5120x1xf32, #tpu.memory_space<vmem>>, %arg3: memref<5120x5120xi8, #tpu.memory_space<vmem>>) attributes {dimension_semantics = [], scalar_prefetch = 0 : i64, scratch_operands = 1 : i64, tpu.core_type = #tpu.core_type<tc>} {
    %get3A = arith.constant 0 : index
    %get3A_0 = arith.constant 0 : index
    %get3A_1 = vector.load %arg1[%get3A, %get3A_0] : memref<8x5120xf32, #tpu.memory_space<vmem>>, vector<1x5120xf32>
    %get3A_2 = arith.constant 1 : index
    %get3A_3 = arith.constant 0 : index
    %get3A_4 = vector.load %arg1[%get3A_2, %get3A_3] : memref<8x5120xf32, #tpu.memory_space<vmem>>, vector<1x5120xf32>
    %get3A_5 = arith.constant 2 : index
    %get3A_6 = arith.constant 0 : index
    %get3A_7 = vector.load %arg1[%get3A_5, %get3A_6] : memref<8x5120xf32, #tpu.memory_space<vmem>>, vector<1x5120xf32>
    %get3A_8 = arith.constant 3 : index
    %get3A_9 = arith.constant 0 : index
    %get3A_10 = vector.load %arg1[%get3A_8, %get3A_9] : memref<8x5120xf32, #tpu.memory_space<vmem>>, vector<1x5120xf32>
    %get3A_11 = arith.constant 4 : index
    %get3A_12 = arith.constant 0 : index
    %get3A_13 = vector.load %arg1[%get3A_11, %get3A_12] : memref<8x5120xf32, #tpu.memory_space<vmem>>, vector<1x5120xf32>
    %get3A_14 = arith.constant 5 : index
    %get3A_15 = arith.constant 0 : index
    %get3A_16 = vector.load %arg1[%get3A_14, %get3A_15] : memref<8x5120xf32, #tpu.memory_space<vmem>>, vector<1x5120xf32>
    %get3A_17 = arith.constant 0 : index
    %get3A_18 = arith.constant 0 : index
    %get3A_19 = vector.load %arg0[%get3A_17, %get3A_18] : memref<5120x8xf32, #tpu.memory_space<vmem>>, vector<5120x4xf32>
    %reduce_max3A = vector.shape_cast %get3A_19 : vector<5120x4xf32> to vector<1x5120x4xf32>
    %reduce_max3A_20 = arith.constant dense<0xFF800000> : vector<1xf32>
    %reduce_max3A_21 = vector.multi_reduction <maximumf>, %reduce_max3A, %reduce_max3A_20 [1, 2] : vector<1x5120x4xf32> to vector<1xf32>
    %reduce_max3A_22 = vector.shape_cast %reduce_max3A_21 : vector<1xf32> to vector<1x1x1xf32>
    %reduce_max3A_23 = vector.extract %reduce_max3A_22[0, 0, 0] : f32 from vector<1x1x1xf32>
    %add3A = arith.constant 1.000000e+00 : f32
    %add3A_24 = arith.addf %reduce_max3A_23, %add3A : f32
    %mul3A = vector.broadcast %add3A_24 : f32 to vector<1x5120xf32>
    %mul3A_25 = arith.mulf %get3A_16, %mul3A : vector<1x5120xf32>
    %add3A_26 = arith.addf %get3A_1, %mul3A_25 : vector<1x5120xf32>
    %add3A_27 = arith.addf %get3A_4, %mul3A_25 : vector<1x5120xf32>
    %add3A_28 = arith.addf %get3A_7, %mul3A_25 : vector<1x5120xf32>
    %add3A_29 = arith.addf %get3A_10, %mul3A_25 : vector<1x5120xf32>
    %sub3A = arith.subf %add3A_28, %add3A_26 : vector<1x5120xf32>
    %sub3A_30 = arith.subf %add3A_29, %add3A_27 : vector<1x5120xf32>
    %mul3A_31 = arith.mulf %sub3A, %sub3A_30 : vector<1x5120xf32>
    %add3A_32 = arith.constant 9.99999971E-10 : f32
    %add3A_33 = vector.broadcast %add3A_32 : f32 to vector<1x5120xf32>
    %add3A_34 = arith.addf %mul3A_31, %add3A_33 : vector<1x5120xf32>
    %mul3A_35 = arith.constant 0.333333343 : f32
    %mul3A_36 = vector.broadcast %mul3A_35 : f32 to vector<1x5120xf32>
    %mul3A_37 = arith.mulf %add3A_34, %mul3A_36 : vector<1x5120xf32>
    %iota3A = tpu.iota {dimensions = array<i32: 1>} : vector<1x5120xi32>
    %convert_element_type3A = arith.sitofp %iota3A : vector<1x5120xi32> to vector<1x5120xf32>
    %broadcast_in_dim3A = arith.constant 1.000000e+00 : f32
    %broadcast_in_dim3A_38 = vector.broadcast %broadcast_in_dim3A : f32 to vector<5120x1xf32>
    %swap3A = arith.constant 0 : index
    %swap3A_39 = arith.constant 0 : index
    %swap3A_40 = vector.load %arg2[%swap3A, %swap3A_39] : memref<5120x1xf32, #tpu.memory_space<vmem>>, vector<5120x1xf32>
    tpu.vector_store %arg2[%swap3A, %swap3A_39], %broadcast_in_dim3A_38 {strides = array<i32>} : memref<5120x1xf32, #tpu.memory_space<vmem>>, vector<5120x1xf32>,
    %scan3A = arith.constant 0.000000e+00 : f32
    %scan3A_41 = arith.constant 0 : i32
    %scan3A_42 = arith.constant 8 : i32
    %scan3A_43 = arith.addi %scan3A_41, %scan3A_42 : i32
    %scan3A_44 = arith.constant 1 : i32
    %scan3A_45 = scf.for %scan3A_47 = %scan3A_41 to %scan3A_43 step %scan3A_44 iter_args(%scan3A_48 = %scan3A) -> (f32)  : i32 {
      %mul3A_49 = arith.constant 640 : i32
      %mul3A_50 = arith.muli %scan3A_47, %mul3A_49 : i32
      %get3A_51 = arith.index_cast %mul3A_50 : i32 to index
      %get3A_52 = arith.constant 5 : index
      %get3A_53 = vector.load %arg0[%get3A_51, %get3A_52] : memref<5120x8xf32, #tpu.memory_space<vmem>>, vector<640x1xf32>
      %add3A_54 = arith.constant 1.000000e+00 : f32
      %add3A_55 = arith.addf %reduce_max3A_23, %add3A_54 : f32
      %mul3A_56 = vector.broadcast %add3A_55 : f32 to vector<640x1xf32>
      %mul3A_57 = arith.mulf %get3A_53, %mul3A_56 : vector<640x1xf32>
      %get3A_58 = arith.index_cast %mul3A_50 : i32 to index
      %get3A_59 = arith.constant 0 : index
      %get3A_60 = vector.load %arg0[%get3A_58, %get3A_59] : memref<5120x8xf32, #tpu.memory_space<vmem>>, vector<640x1xf32>
      %add3A_61 = arith.addf %get3A_60, %mul3A_57 : vector<640x1xf32>
      %get3A_62 = arith.index_cast %mul3A_50 : i32 to index
      %get3A_63 = arith.constant 1 : index
      %get3A_64 = vector.load %arg0[%get3A_62, %get3A_63] : memref<5120x8xf32, #tpu.memory_space<vmem>>, vector<640x1xf32>
      %add3A_65 = arith.addf %get3A_64, %mul3A_57 : vector<640x1xf32>
      %get3A_66 = arith.index_cast %mul3A_50 : i32 to index
      %get3A_67 = arith.constant 2 : index
      %get3A_68 = vector.load %arg0[%get3A_66, %get3A_67] : memref<5120x8xf32, #tpu.memory_space<vmem>>, vector<640x1xf32>
      %add3A_69 = arith.addf %get3A_68, %mul3A_57 : vector<640x1xf32>
      %get3A_70 = arith.index_cast %mul3A_50 : i32 to index
      %get3A_71 = arith.constant 3 : index
      %get3A_72 = vector.load %arg0[%get3A_70, %get3A_71] : memref<5120x8xf32, #tpu.memory_space<vmem>>, vector<640x1xf32>
      %add3A_73 = arith.addf %get3A_72, %mul3A_57 : vector<640x1xf32>
      %sub3A_74 = arith.subf %add3A_69, %add3A_61 : vector<640x1xf32>
      %sub3A_75 = arith.subf %add3A_73, %add3A_65 : vector<640x1xf32>
      %mul3A_76 = arith.mulf %sub3A_74, %sub3A_75 : vector<640x1xf32>
      %mul3A_77 = arith.constant 0.333333343 : f32
      %mul3A_78 = vector.broadcast %mul3A_77 : f32 to vector<640x1xf32>
      %mul3A_79 = arith.mulf %mul3A_76, %mul3A_78 : vector<640x1xf32>
      %get3A_80 = arith.index_cast %mul3A_50 : i32 to index
      %get3A_81 = arith.constant 4 : index
      %get3A_82 = vector.load %arg0[%get3A_80, %get3A_81] : memref<5120x8xf32, #tpu.memory_space<vmem>>, vector<640x1xf32>
      %iota3A_83 = tpu.iota {dimensions = array<i32: 0>} : vector<640x1xi32>
      %mul3A_84 = arith.constant 640 : i32
      %mul3A_85 = arith.muli %scan3A_47, %mul3A_84 : i32
      %add3A_86 = vector.broadcast %mul3A_85 : i32 to vector<640x1xi32>
      %add3A_87 = arith.addi %iota3A_83, %add3A_86 : vector<640x1xi32>
      %convert_element_type3A_88 = arith.sitofp %add3A_87 : vector<640x1xi32> to vector<640x1xf32>
      %min3A = vector.broadcast %add3A_69 : vector<640x1xf32> to vector<640x5120xf32>
      %min3A_89 = vector.broadcast %add3A_28 : vector<1x5120xf32> to vector<640x5120xf32>
      %min3A_90 = arith.minimumf %min3A, %min3A_89 : vector<640x5120xf32>
      %max3A = vector.broadcast %add3A_61 : vector<640x1xf32> to vector<640x5120xf32>
      %max3A_91 = vector.broadcast %add3A_26 : vector<1x5120xf32> to vector<640x5120xf32>
      %max3A_92 = arith.maximumf %max3A, %max3A_91 : vector<640x5120xf32>
      %sub3A_93 = arith.subf %min3A_90, %max3A_92 : vector<640x5120xf32>
      %max3A_94 = arith.constant 0.000000e+00 : f32
      %max3A_95 = vector.broadcast %max3A_94 : f32 to vector<640x5120xf32>
      %max3A_96 = arith.maximumf %sub3A_93, %max3A_95 : vector<640x5120xf32>
      %min3A_97 = vector.broadcast %add3A_73 : vector<640x1xf32> to vector<640x5120xf32>
      %min3A_98 = vector.broadcast %add3A_29 : vector<1x5120xf32> to vector<640x5120xf32>
      %min3A_99 = arith.minimumf %min3A_97, %min3A_98 : vector<640x5120xf32>
      %max3A_100 = vector.broadcast %add3A_65 : vector<640x1xf32> to vector<640x5120xf32>
      %max3A_101 = vector.broadcast %add3A_27 : vector<1x5120xf32> to vector<640x5120xf32>
      %max3A_102 = arith.maximumf %max3A_100, %max3A_101 : vector<640x5120xf32>
      %sub3A_103 = arith.subf %min3A_99, %max3A_102 : vector<640x5120xf32>
      %max3A_104 = arith.constant 0.000000e+00 : f32
      %max3A_105 = vector.broadcast %max3A_104 : f32 to vector<640x5120xf32>
      %max3A_106 = arith.maximumf %sub3A_103, %max3A_105 : vector<640x5120xf32>
      %mul3A_107 = arith.mulf %max3A_96, %max3A_106 : vector<640x5120xf32>
      %add3A_108 = vector.broadcast %mul3A_79 : vector<640x1xf32> to vector<640x5120xf32>
      %add3A_109 = vector.broadcast %mul3A_37 : vector<1x5120xf32> to vector<640x5120xf32>
      %add3A_110 = arith.addf %add3A_108, %add3A_109 : vector<640x5120xf32>
      %gt3A = arith.cmpf ogt, %mul3A_107, %add3A_110 : vector<640x5120xf32>
      %gt3A_111 = vector.broadcast %get3A_13 : vector<1x5120xf32> to vector<640x5120xf32>
      %gt3A_112 = vector.broadcast %get3A_82 : vector<640x1xf32> to vector<640x5120xf32>
      %gt3A_113 = arith.cmpf ogt, %gt3A_111, %gt3A_112 : vector<640x5120xf32>
      %eq3A = vector.broadcast %get3A_13 : vector<1x5120xf32> to vector<640x5120xf32>
      %eq3A_114 = vector.broadcast %get3A_82 : vector<640x1xf32> to vector<640x5120xf32>
      %eq3A_115 = arith.cmpf oeq, %eq3A, %eq3A_114 : vector<640x5120xf32>
      %lt3A = vector.broadcast %convert_element_type3A : vector<1x5120xf32> to vector<640x5120xf32>
      %lt3A_116 = vector.broadcast %convert_element_type3A_88 : vector<640x1xf32> to vector<640x5120xf32>
      %lt3A_117 = arith.cmpf olt, %lt3A, %lt3A_116 : vector<640x5120xf32>
      %and3A = arith.andi %eq3A_115, %lt3A_117 : vector<640x5120xi1>
      %or3A = arith.ori %gt3A_113, %and3A : vector<640x5120xi1>
      %and3A_118 = arith.andi %gt3A, %or3A : vector<640x5120xi1>
      %convert_element_type3A_119 = arith.extui %and3A_118 : vector<640x5120xi1> to vector<640x5120xi32>
      %convert_element_type3A_120 = arith.sitofp %convert_element_type3A_119 : vector<640x5120xi32> to vector<640x5120xf32>
      %convert_element_type3A_121 = arith.fptosi %convert_element_type3A_120 : vector<640x5120xf32> to vector<640x5120xi8>
      %swap3A_122 = arith.index_cast %mul3A_50 : i32 to index
      %swap3A_123 = arith.constant 0 : index
      %swap3A_124 = vector.load %arg3[%swap3A_122, %swap3A_123] : memref<5120x5120xi8, #tpu.memory_space<vmem>>, vector<640x5120xi8>
      tpu.vector_store %arg3[%swap3A_122, %swap3A_123], %convert_element_type3A_121 {strides = array<i32>} : memref<5120x5120xi8, #tpu.memory_space<vmem>>, vector<640x5120xi8>,
      %mul3A_125 = arith.constant 640 : i32
      %mul3A_126 = arith.muli %scan3A_47, %mul3A_125 : i32
      %get3A_127 = arith.constant 0 : index
      %get3A_128 = arith.constant 0 : index
      %get3A_129 = vector.load %arg2[%get3A_127, %get3A_128] : memref<5120x1xf32, #tpu.memory_space<vmem>>, vector<5120x1xf32>
      %dot_general3A = arith.constant dense<0.000000e+00> : vector<640x1xf32>
      %dot_general3A_130 = tpu.matmul %convert_element_type3A_120, %get3A_129, %dot_general3A {dimension_numbers = #tpu.dot_dimension_numbers<[1], [0], [0], [1], [0, 0, 1, 1], [], []>, transpose_lhs_hint = false} : vector<640x5120xf32>, vector<5120x1xf32>, vector<640x1xf32> -> vector<640x1xf32>
      %gt3A_131 = arith.constant 5.000000e-01 : f32
      %gt3A_132 = vector.broadcast %gt3A_131 : f32 to vector<640x1xf32>
      %gt3A_133 = arith.cmpf ogt, %dot_general3A_130, %gt3A_132 : vector<640x1xf32>
      %jit3A = arith.constant 0.000000e+00 : f32
      %jit3A_134 = arith.constant 1.000000e+00 : f32
      %broadcast_in_dim3A_135 = vector.broadcast %jit3A : f32 to vector<640x1xf32>
      %broadcast_in_dim3A_136 = vector.broadcast %jit3A_134 : f32 to vector<640x1xf32>
      %select_n3A = arith.select %gt3A_133, %broadcast_in_dim3A_135, %broadcast_in_dim3A_136 : vector<640x1xi1>, vector<640x1xf32>
      %get3A_137 = arith.index_cast %mul3A_126 : i32 to index
      %get3A_138 = arith.constant 0 : index
      %get3A_139 = vector.load %arg2[%get3A_137, %get3A_138] : memref<5120x1xf32, #tpu.memory_space<vmem>>, vector<640x1xf32>
      %swap3A_140 = arith.index_cast %mul3A_126 : i32 to index
      %swap3A_141 = arith.constant 0 : index
      %swap3A_142 = vector.load %arg2[%swap3A_140, %swap3A_141] : memref<5120x1xf32, #tpu.memory_space<vmem>>, vector<640x1xf32>
      tpu.vector_store %arg2[%swap3A_140, %swap3A_141], %select_n3A {strides = array<i32>} : memref<5120x1xf32, #tpu.memory_space<vmem>>, vector<640x1xf32>,
      %get3A_143 = arith.index_cast %mul3A_126 : i32 to index
      %get3A_144 = arith.constant 4 : index
      %get3A_145 = vector.load %arg0[%get3A_143, %get3A_144] : memref<5120x8xf32, #tpu.memory_space<vmem>>, vector<640x1xf32>
      %ge3A = arith.constant 2.000000e-01 : f32
      %ge3A_146 = vector.broadcast %ge3A : f32 to vector<640x1xf32>
      %ge3A_147 = arith.cmpf oge, %get3A_145, %ge3A_146 : vector<640x1xf32>
      %jit3A_148 = arith.constant 1.000000e+00 : f32
      %jit3A_149 = arith.constant 0.000000e+00 : f32
      %broadcast_in_dim3A_150 = vector.broadcast %jit3A_148 : f32 to vector<640x1xf32>
      %broadcast_in_dim3A_151 = vector.broadcast %jit3A_149 : f32 to vector<640x1xf32>
      %select_n3A_152 = arith.select %ge3A_147, %broadcast_in_dim3A_150, %broadcast_in_dim3A_151 : vector<640x1xi1>, vector<640x1xf32>
      %sub3A_153 = arith.subf %select_n3A, %get3A_139 : vector<640x1xf32>
      %abs3A = math.absf %sub3A_153 : vector<640x1xf32>
      %mul3A_154 = arith.mulf %abs3A, %select_n3A_152 : vector<640x1xf32>
      %reduce_sum3A = vector.shape_cast %mul3A_154 : vector<640x1xf32> to vector<1x640x1xf32>
      %reduce_sum3A_155 = arith.constant dense<0.000000e+00> : vector<1xf32>
      %reduce_sum3A_156 = vector.multi_reduction <add>, %reduce_sum3A, %reduce_sum3A_155 [1, 2] : vector<1x640x1xf32> to vector<1xf32>
      %reduce_sum3A_157 = vector.shape_cast %reduce_sum3A_156 : vector<1xf32> to vector<1x1x1xf32>
      %reduce_sum3A_158 = vector.extract %reduce_sum3A_157[0, 0, 0] : f32 from vector<1x1x1xf32>
      %add3A_159 = arith.addf %scan3A_48, %reduce_sum3A_158 : f32
      scf.yield %add3A_159 : f32
    }
    %scan3A_46 = arith.constant 8 : i32
    %while3A = scf.while (%while3A_47 = %scan3A_45) : (f32) -> f32 {
      %gt3A = arith.constant 0.000000e+00 : f32
      %gt3A_48 = arith.cmpf ogt, %while3A_47, %gt3A : f32
      scf.condition(%gt3A_48) %while3A_47 : f32
    } do {
    ^bb0(%while3A_47: f32):
      %scan3A_48 = arith.constant 0.000000e+00 : f32
      %scan3A_49 = arith.constant 0 : i32
      %scan3A_50 = arith.constant 8 : i32
      %scan3A_51 = arith.addi %scan3A_49, %scan3A_50 : i32
      %scan3A_52 = arith.constant 1 : i32
      %scan3A_53 = scf.for %scan3A_55 = %scan3A_49 to %scan3A_51 step %scan3A_52 iter_args(%scan3A_56 = %scan3A_48) -> (f32)  : i32 {
        %mul3A_57 = arith.constant 640 : i32
        %mul3A_58 = arith.muli %scan3A_55, %mul3A_57 : i32
        %get3A_59 = arith.index_cast %mul3A_58 : i32 to index
        %get3A_60 = arith.constant 0 : index
        %get3A_61 = vector.load %arg3[%get3A_59, %get3A_60] : memref<5120x5120xi8, #tpu.memory_space<vmem>>, vector<640x5120xi8>
        %convert_element_type3A_62 = arith.sitofp %get3A_61 : vector<640x5120xi8> to vector<640x5120xf32>
        %mul3A_63 = arith.constant 640 : i32
        %mul3A_64 = arith.muli %scan3A_55, %mul3A_63 : i32
        %get3A_65 = arith.constant 0 : index
        %get3A_66 = arith.constant 0 : index
        %get3A_67 = vector.load %arg2[%get3A_65, %get3A_66] : memref<5120x1xf32, #tpu.memory_space<vmem>>, vector<5120x1xf32>
        %dot_general3A = arith.constant dense<0.000000e+00> : vector<640x1xf32>
        %dot_general3A_68 = tpu.matmul %convert_element_type3A_62, %get3A_67, %dot_general3A {dimension_numbers = #tpu.dot_dimension_numbers<[1], [0], [0], [1], [0, 0, 1, 1], [], []>, transpose_lhs_hint = false} : vector<640x5120xf32>, vector<5120x1xf32>, vector<640x1xf32> -> vector<640x1xf32>
        %gt3A = arith.constant 5.000000e-01 : f32
        %gt3A_69 = vector.broadcast %gt3A : f32 to vector<640x1xf32>
        %gt3A_70 = arith.cmpf ogt, %dot_general3A_68, %gt3A_69 : vector<640x1xf32>
        %jit3A = arith.constant 0.000000e+00 : f32
        %jit3A_71 = arith.constant 1.000000e+00 : f32
        %broadcast_in_dim3A_72 = vector.broadcast %jit3A : f32 to vector<640x1xf32>
        %broadcast_in_dim3A_73 = vector.broadcast %jit3A_71 : f32 to vector<640x1xf32>
        %select_n3A = arith.select %gt3A_70, %broadcast_in_dim3A_72, %broadcast_in_dim3A_73 : vector<640x1xi1>, vector<640x1xf32>
        %get3A_74 = arith.index_cast %mul3A_64 : i32 to index
        %get3A_75 = arith.constant 0 : index
        %get3A_76 = vector.load %arg2[%get3A_74, %get3A_75] : memref<5120x1xf32, #tpu.memory_space<vmem>>, vector<640x1xf32>
        %swap3A_77 = arith.index_cast %mul3A_64 : i32 to index
        %swap3A_78 = arith.constant 0 : index
        %swap3A_79 = vector.load %arg2[%swap3A_77, %swap3A_78] : memref<5120x1xf32, #tpu.memory_space<vmem>>, vector<640x1xf32>
        tpu.vector_store %arg2[%swap3A_77, %swap3A_78], %select_n3A {strides = array<i32>} : memref<5120x1xf32, #tpu.memory_space<vmem>>, vector<640x1xf32>,
        %get3A_80 = arith.index_cast %mul3A_64 : i32 to index
        %get3A_81 = arith.constant 4 : index
        %get3A_82 = vector.load %arg0[%get3A_80, %get3A_81] : memref<5120x8xf32, #tpu.memory_space<vmem>>, vector<640x1xf32>
        %ge3A = arith.constant 2.000000e-01 : f32
        %ge3A_83 = vector.broadcast %ge3A : f32 to vector<640x1xf32>
        %ge3A_84 = arith.cmpf oge, %get3A_82, %ge3A_83 : vector<640x1xf32>
        %jit3A_85 = arith.constant 1.000000e+00 : f32
        %jit3A_86 = arith.constant 0.000000e+00 : f32
        %broadcast_in_dim3A_87 = vector.broadcast %jit3A_85 : f32 to vector<640x1xf32>
        %broadcast_in_dim3A_88 = vector.broadcast %jit3A_86 : f32 to vector<640x1xf32>
        %select_n3A_89 = arith.select %ge3A_84, %broadcast_in_dim3A_87, %broadcast_in_dim3A_88 : vector<640x1xi1>, vector<640x1xf32>
        %sub3A_90 = arith.subf %select_n3A, %get3A_76 : vector<640x1xf32>
        %abs3A = math.absf %sub3A_90 : vector<640x1xf32>
        %mul3A_91 = arith.mulf %abs3A, %select_n3A_89 : vector<640x1xf32>
        %reduce_sum3A = vector.shape_cast %mul3A_91 : vector<640x1xf32> to vector<1x640x1xf32>
        %reduce_sum3A_92 = arith.constant dense<0.000000e+00> : vector<1xf32>
        %reduce_sum3A_93 = vector.multi_reduction <add>, %reduce_sum3A, %reduce_sum3A_92 [1, 2] : vector<1x640x1xf32> to vector<1xf32>
        %reduce_sum3A_94 = vector.shape_cast %reduce_sum3A_93 : vector<1xf32> to vector<1x1x1xf32>
        %reduce_sum3A_95 = vector.extract %reduce_sum3A_94[0, 0, 0] : f32 from vector<1x1x1xf32>
        %add3A_96 = arith.addf %scan3A_56, %reduce_sum3A_95 : f32
        scf.yield %add3A_96 : f32
      }
      %scan3A_54 = arith.constant 8 : i32
      scf.yield %scan3A_53 : f32
    }
    return
  }
}

</mosaic_0001>

<sc_bundles>
// kernel: kernel.4.cloned.1.call-start
scs
__scs_entry_jumppad:
0x0: {  	(pc) =	sbr.rel $0x88, $3  }
0x1: {  	(tag) =	ssettag $0x0;
	lr =	simm.s32 $0x1  }
0x2: {  	[smem:$0x3F9D] =	sst lr;
	_ =	strace $0xD0000000  }
0x3: {  	_ = 	snop  }
0x4: {  	_ = 	snop  }
0x5: {  	_ = 	snop  }
0x6: {  	_ = 	snop  }
0x7: {  	_ = 	snop  }
__scs_overlays_trampoline_lowered:
0x8: {  	[smem:$0x3FAC] =	sst s0  }
0x9: {  	[smem:$0x3FAD] =	sst s1  }
0xa: {  	[smem:$0x3FAE] =	sst s2  }
0xb: {  	[smem:$0x3FAF] =	sst s3  }
0xc: {  	[smem:$0x3FB0] =	sst s4  }
0xd: {  	[smem:$0x3FB1] =	sst s5  }
0xe: {  	[smem:$0x3FB2] =	sst s6  }
0xf: {  	[smem:$0x3FB3] =	sst s7  }
0x10: {  	[smem:$0x3FB4] =	sst s8  }
0x11: {  	[smem:$0x3FB5] =	sst s9;
	s0 =	simm.s32 @!p0 $0x0  }
0x12: {  	s1 =	sld [smem:$0x3F9B];
	s0 =	simm.s32 @p0 $0x1  }
0x13: {  	[smem:$0x3FB6] =	sst s0;
	s0 =	simm.s32 @!p1 $0x0  }
0x14: {  	s2 =	sld [smem:$0x3F9A];
	s0 =	simm.s32 @p1 $0x1  }
0x15: {  	[smem:$0x3FB7] =	sst s0;
	s0 =	simm.s32 @!p2 $0x0  }
0x16: {  	s3 =	sld [smem:$0x3FDB];
	s0 =	simm.s32 @p2 $0x1  }
0x17: {  	s4 =	simm.s32 $0x1BF5;
	[smem:$0x3FB9] =	sst s0  }
0x18: {  	s0 =	sld [smem:$0x3F9C];
	_ =	swait.ge [sflag:s4], $0x0  }
0x19: {  	s7 =	sld [smem:$0x3F9D]  }
0x1a: {  	s8 =	sadd.s32 $0xFFFFE003, lr  }
0x1b: {  	s9 =	sadd.s32 $0xFFFFFEF7, lr;
	s5 =	simm.s32 $0xFFFFFFFF;
	p2 =	slt.u32 s8, $0xFFFFF086  }
0x1c: {  	p1 =	slt.u32 s9, $0xF7A;
	s5 =	simm.s32 @!p2 $0x0  }
0x1d: {  	s5 =	simm.s32 @p1 $0x1;
	p0 =	seq.s32 s7, s2  }
0x1e: {  	s7 =	smul.u32 @!p0 $0xF7A, s2;
	p2 =	seq.s32 @!p0 s5, $0x0  }
0x1f: {  	s9 =	smul.u32 $0xF7A, s1;
	s8 =	simm.s32 @!p0 $0x1BF5;
	p2 =	por !p2, p0  }
0x20: {  	[sflag:s8] =	ssyncset.s32 @!p0 $0xFFFFF086;
	s6 =	sadd.s32 @!p0 s3, s7;
	s7 =	simm.s32 @!p0 $0x108  }
0x21: {  	s3 =	sadd.s32 s3, s9;
	s6 =	sadd.s32 @!p0 $0x88, s6;
	s7 =	simm.s32 @p2 $0x1082  }
0x22: {  	[simem:s7], [sflag:s8] =	dma.local @!p0 [hbm:s6], $0xF7A  }
0x23: {  	s9 =	sor.u32 $0xD0000000, s2;
	s6 =	simm.s32 $0x108;
	_ =	swait.ge @!p0 [sflag:s8], $0x0  }
0x24: {  	s3 =	sadd.s32 $0x88, s3;
	s6 =	simm.s32 @!p1 $0x1082;
	[sflag:s4] =	ssyncset.s32 $0xFFFFF086  }
0x25: {  	[simem:s6], [sflag:s4] =	dma.local [hbm:s3], $0xF7A  }
0x26: {  	[smem:$0x3F9D] =	sst s1;
	(tag) =	ssettag s2;
	_ =	strace s9  }
0x27: {  	s1 =	sld [smem:$0x3FAD]  }
0x28: {  	s2 =	sld [smem:$0x3FAE]  }
0x29: {  	s4 =	sld [smem:$0x3FB0]  }
0x2a: {  	p0 =	seq.s32 s5, $0x0;
	s5 =	sld [smem:$0x3FB1]  }
0x2b: {  	s6 =	sld [smem:$0x3FB2]  }
0x2c: {  	s7 =	sld [smem:$0x3FB3]  }
0x2d: {  	s3 =	simm.s32 $0x108;
	s8 =	sld [smem:$0x3FB4]  }
0x2e: {  	s3 =	simm.s32 @!p0 $0x1082;
	s9 =	sld [smem:$0x3FB5]  }
0x2f: {  	lr =	sadd.s32 s0, s3;
	s0 =	sld [smem:$0x3FAC]  }
0x30: {  	s3 =	sld [smem:$0x3FAF]  }
0x31: {  	[smem:$0x3FB8] =	sst s10  }
0x32: {  	s10 =	sld [smem:$0x3FB6];
	_ =	sdelay $0x3  }
0x33: {  	p0 =	seq.s32 s10, $0x1;
	s10 =	sld [smem:$0x3FB8];
	_ =	sdelay $0x3  }
0x34: {  	[smem:$0x3FB8] =	sst s10  }
0x35: {  	s10 =	sld [smem:$0x3FB7];
	_ =	sdelay $0x3  }
0x36: {  	p1 =	seq.s32 s10, $0x1;
	s10 =	sld [smem:$0x3FB8];
	_ =	sdelay $0x3  }
0x37: {  	[smem:$0x3FB8] =	sst s10  }
0x38: {  	s10 =	sld [smem:$0x3FB9]  }
0x39: {  	_ = 	snop;
	(pc) =	sbr.ind lr, $3  }
0x3a: {  	_ = 	snop  }
0x3b: {  	_ = 	snop  }
0x3c: {  	p2 =	seq.s32 s10, $0x1;
	s10 =	sld [smem:$0x3FB8]  }
0x3d: {  	_ =	shalt  }
0x3e: {  	_ =	shalt  }
0x3f: {  	_ =	shalt  }
0x40: {  	_ =	shalt  }
0x41: {  	_ =	shalt  }
0x42: {  	_ =	shalt  }
0x43: {  	_ =	shalt  }
0x44: {  	_ =	shalt  }
0x45: {  	_ =	shalt  }
0x46: {  	_ =	shalt  }
0x47: {  	_ =	shalt  }
0x48: {  	_ =	shalt  }
0x49: {  	_ =	shalt  }
0x4a: {  	_ =	shalt  }
0x4b: {  	_ =	shalt  }
0x4c: {  	_ =	shalt  }
0x4d: {  	_ =	shalt  }
0x4e: {  	_ =	shalt  }
0x4f: {  	_ =	shalt  }
0x50: {  	_ =	shalt  }
0x51: {  	_ =	shalt  }
0x52: {  	_ =	shalt  }
0x53: {  	_ =	shalt  }
0x54: {  	_ =	shalt  }
0x55: {  	_ =	shalt  }
0x56: {  	_ =	shalt  }
0x57: {  	_ =	shalt  }
0x58: {  	_ =	shalt  }
0x59: {  	_ =	shalt  }
0x5a: {  	_ =	shalt  }
0x5b: {  	_ =	shalt  }
0x5c: {  	_ =	shalt  }
0x5d: {  	_ =	shalt  }
0x5e: {  	_ =	shalt  }
0x5f: {  	_ =	shalt  }
0x60: {  	_ =	shalt  }
0x61: {  	_ =	shalt  }
0x62: {  	_ =	shalt  }
0x63: {  	_ =	shalt  }
0x64: {  	_ =	shalt  }
0x65: {  	_ =	shalt  }
0x66: {  	_ =	shalt  }
0x67: {  	_ =	shalt  }
0x68: {  	_ =	shalt  }
0x69: {  	_ =	shalt  }
0x6a: {  	_ =	shalt  }
0x6b: {  	_ =	shalt  }
0x6c: {  	_ =	shalt  }
0x6d: {  	_ =	shalt  }
0x6e: {  	_ =	shalt  }
0x6f: {  	_ =	shalt  }
0x70: {  	_ =	shalt  }
0x71: {  	_ =	shalt  }
0x72: {  	_ =	shalt  }
0x73: {  	_ =	shalt  }
0x74: {  	_ =	shalt  }
0x75: {  	_ =	shalt  }
0x76: {  	_ =	shalt  }
0x77: {  	_ =	shalt  }
0x78: {  	_ =	shalt  }
0x79: {  	_ =	shalt  }
0x7a: {  	_ =	shalt  }
0x7b: {  	_ =	shalt  }
0x7c: {  	_ =	shalt  }
0x7d: {  	_ =	shalt  }
0x7e: {  	_ =	shalt  }
0x7f: {  	_ =	shalt  }
0x80: {  	_ =	shalt  }
0x81: {  	_ =	shalt  }
0x82: {  	_ =	shalt  }
0x83: {  	_ =	shalt  }
0x84: {  	_ =	shalt  }
0x85: {  	_ =	shalt  }
0x86: {  	_ =	shalt  }
0x87: {  	_ =	shalt  }
.Lfunc_end0:
.L_simem_size_0:
called_computation_lowered:
.L_overlay_start_0:
0x88: {  	s2 =	sld [smem:$0x3FD9]  }
0x89: {  	s3 =	sld [smem:$0x3FFE];
	_ =	sdelay $0x1  }
0x8a: {  	s1 =	srdreg.scid  }
0x8b: {  	s0 =	sand.u32 $0x1, s1  }
0x8c: {  	s17 =	sshll.u32 s0, $0xA;
	s2 =	sadd.s32 s3, s2  }
0x8d: {  	s2 =	sadd.s32 s2, s17  }
0x8e: {  	[smem:$0x3FC4] =	sst s2  }
0x8f: {  	_ = 	snop  }
0x90: {  	s2 =	sld [smem:$0x3FC7]  }
0x91: {  	s18 =	sld [smem:$0x3FD0];
	(tm) =	ssettm $0x1  }
0x92: {  	s4 =	sld [smem:$0x3FFB];
	_ =	sdelay $0x3  }
0x93: {  	_ =	strace s4  }
0x94: {  	s4 =	sld [smem:$0x3FFC];
	_ =	sdelay $0x3  }
0x95: {  	_ =	strace s4  }
0x96: {  	s4 =	sld [smem:$0x3FFD];
	_ =	sdelay $0x3  }
0x97: {  	_ =	strace s4  }
0x98: {  	_ =	strace $0x8FFFFFFF  }
0x99: {  	s19 =	sld [smem:$0x3FDB];
	_ =	sdelay $0x1  }
0x9a: {  	s5 =	simm.s32 $_scs_section_size  }
0x9b: {  	s6 =	simm.s32 $_size__tile_overlayer_lowered;
	s7 =	simm.s32 $_tile_overlayer_lowered  }
0x9c: {  	s22 =	simm.s32 $0x1BFF;
	s21 =	sshll.u32 s7, $0x1;
	s4 =	sadd.s32 s5, s19  }
0x9d: {  	s8 =	simm.s32 $0x0;
	s20 =	sshll.u32 s6, $0x1;
	s6 =	sadd.s32 s21, s4  }
0x9e: {  	[timem:s8], [sflag:s22] =	dma.local [hbm:s6], s20  }
0x9f: {  	_ =	swait.ge [sflag:s22], s20  }
0xa0: {  	s5 =	ssub.s32 $0x0, s20;
	[sflag:s22] =	ssyncset.done $0x0  }
0xa1: {  	[sflag:s22] =	ssyncadd.s32 s5;
	_ =	sdelay $0x1  }
0xa2: {  	s23 =	simm.s32 $0x1B8B  }
0xa3: {  	_ =	swait.ge [sflag:s23], $0x1  }
0xa4: {  	[sflag:s23] =	ssyncset.done $0x0  }
0xa5: {  	s25 =	simm.s32 $0x1B8E;
	s24 =	sld [smem:$0x3FFE];
	[sflag:s23] =	ssyncadd.s32 $0xFFFFFFFF  }
0xa6: {  	s26 =	simm.s32 $execute0_lowered;
	[smem:$0x3FD2] =	sst s25  }
0xa7: {  	s6 =	sshll.u32 s26, $0x1;
	_ =	strace $0x80000046;
	[dreg:$0x1] =	wrdreg $0xFFFFFFFF  }
0xa8: {  	s28 =	simm.s32 $_size_execute0_lowered;
	s4 =	sadd.s32 s4, s6;
	[dreg:$0x0] =	wrdreg $0x0  }
0xa9: {  	s6 =	sshll.u32 s28, $0x1;
	[dreg:$0x2] =	wrdreg s4  }
0xaa: {  	[dreg:$0x3] =	wrdreg s6  }
0xab: {  	[dreg:$0x4] =	wrdreg $0xC0  }
0xac: {  	_ =	task [dreg:s8], $0x5FFFF  }
0xad: {  	[dreg:$0x1] =	wrdreg $0xFFFFFFFF  }
0xae: {  	[dreg:$0x0] =	wrdreg $0x60  }
0xaf: {  	[dreg:$0x2] =	wrdreg s24  }
0xb0: {  	[dreg:$0x3] =	wrdreg s2  }
0xb1: {  	[dreg:$0x4] =	wrdreg s18  }
0xb2: {  	[dreg:$0x5] =	wrdreg $0x8000  }
0xb3: {  	[dreg:$0x6] =	wrdreg $0x9  }
0xb4: {  	_ =	task.clear_ibuf [dreg:s8], $0x7FFFF;
	_ =	strace $0x90000046  }
0xb5: {  	s29 =	simm.s32 $0x9;
	_ =	strace $0x80000048  }
0xb6: {  	_ =	swait.ge [sflag:s29], $0x1  }
0xb7: {  	[sflag:s29] =	ssyncadd.s32 $0xFFFFFFFF  }
0xb8: {  	_ =	strace $0x90000048  }
0xb9: {  	_ =	sfence  }
0xba: {  	s30 =	sld [smem:$0x0];
	_ =	sdelay $0x2  }
0xbb: {  	s31 =	sshll.u32 s1, $0xD;
	s1 =	sshrl.u32 s1, $0x2  }
0xbc: {  	s3 =	sand.u32 $0x4000, s31;
	s1 =	sadd.s32 s1, s30  }
0xbd: {  	s0 =	sor.u32 s3, s0;
	s1 =	sshll.u32 s1, $0x11  }
0xbe: {  	s0 =	sor.u32 s1, s0  }
0xbf: {  	s0 =	sadd.s32 $0x8F2B, s0  }
0xc0: {  	[sflag:s0] =	ssyncadd.remote.s32 $0x1  }
0xc1: {  	_ =	sfence.sel $0xFFFF  }
0xc2: {  	[dreg:$0x0] =	wrdreg $0xFFFFFFFF;
	(pc) =	sbr.abs _section_cstart, $3  }
0xc3: {  	[dreg:$0x1] =	wrdreg $0xFFFFFFFF  }
0xc4: {  	_ =	task.clear_ibuf [dreg:s8], $0x2FFFF;
	_ =	strace $0x9FFFFFFF  }
0xc5: {  	(tm) =	ssettm $0x7FFFFFFF  }
tec
execute0_lowered:
.L_overlay_start_1:
0x0: {  	(tag) =	ssettag $0x1  }
0x1: {  	v0 =	vimm.f32 $1.500000000e+01;
	vm0 =	vcmask $0x300  }
0x2: {  	vm14 =	vcmask $0x704;
	vm15 =	vcmask $0xB08;
	vm4 =	vcmask $0xF0C  }
0x3: {  	vm5 =	vcmask $0x1310;
	vm6 =	vcmask $0x1714;
	v0 =	vsel vm0, $0x0, v0  }
0x4: {  	vm7 =	vcmask $0x1B18;
	vm8 =	vcmask $0x1F1C;
	v0 =	vsel vm14, $0x3F800000, v0  }
0x5: {  	vm9 =	vcmask $0x2320;
	vm10 =	vcmask $0x2724;
	v0 =	vsel vm15, $0x40000000, v0  }
0x6: {  	v1 =	vimm.s32 $0xEFCDAB89;
	vm11 =	vcmask $0x2B28;
	v0 =	vsel vm4, $0x40400000, v0  }
0x7: {  	v2 =	vimm.s32 $0x67452301;
	v3 =	vimm.s32 $0xDCFE98BA;
	v0 =	vsel vm5, $0x40800000, v0  }
0x8: {  	s0 =	rddreg [dreg:$0x0];
	v4 =	vimm.s32 $0x54761032;
	vm12 =	vcmask $0x2F2C;
	v0 =	vsel vm6, $0x40A00000, v0  }
0x9: {  	s1 =	rddreg [dreg:$0x1];
	vm13 =	vcmask $0x3330;
	v6 =	vimm.s32 $0x76543210;
	v0 =	vsel vm7, $0x40C00000, v0  }
0xa: {  	s13 =	stileid.u32;
	s12 =	rddreg [dreg:$0x3];
	v1 =	vunpack.c.l.s4.s8 v1;
	v2 =	vunpack.c.l.s4.s8 v2;
	v0 =	vsel vm8, $0x40E00000, v0  }
0xb: {  	s6 =	simm.s32 $0x0;
	s2 =	srdreg.scid;
	s14 =	simm.s32 $0x2;
	v3 =	vunpack.c.l.s4.s8 v3;
	v4 =	vunpack.c.l.s4.s8 v4;
	v0 =	vsel vm9, $0x41000000, v0  }
0xc: {  	s15 =	simm.s32 $0x180;
	s16 =	simm.s32 $0x300;
	s17 =	simm.s32 $0x780;
	v1 =	vunpack.c.0.s8.s32 v1;
	v2 =	vunpack.c.0.s8.s32 v2;
	v0 =	vsel vm10, $0x41100000, v0  }
0xd: {  	s19 =	simm.s32 $0xCC0;
	s23 =	simm.s32 $0x1;
	s24 =	simm.s32 $0x20;
	v3 =	vunpack.c.0.s8.s32 v3;
	v4 =	vunpack.c.0.s8.s32 v4;
	v0 =	vsel vm11, $0x41200000, v0  }
0xe: {  	s25 =	simm.s32 $0xC40;
	s26 =	simm.s32 $0x2CC0;
	s28 =	simm.s32 $0x0;
	v6 =	vunpack.c.l.s4.s8 v6;
	v5 =	vsel vm12, $0x41300000, v0;
	v0 =	vcombine.low v2, v1  }
0xf: {  	s3 =	smul.u32 $0x140, s13;
	[smem:$0x7FF] =	sst s6;
	s2 =	sand.u32 $0x1, s2;
	v1 =	vcombine.low v4, v3;
	v2 =	vimm.s32 $0xBA98FEDC;
	v4 =	vimm.s32 $0xFEDCBA98  }
0x10: {  	s7 =	sadd.s32 $0x1600, s0;
	s8 =	sadd.s32 $0x15A00, s0;
	s30 =	sshll.u32 s13, $0x6;
	v3 =	vimm.s32 $0x32107654;
	v2 =	vunpack.c.l.s4.s8 v2;
	v4 =	vunpack.c.l.s4.s8 v4  }
.Ltmp0:
0x11: {  	_ =	strace $0x80000047;
	s5 =	ssub.s32 $0x2, s2;
	vm14 =	vcmask $0x3734;
	vm15 =	vcmask $0x3B38;
	v3 =	vunpack.c.l.s4.s8 v3;
	(pc) =	sbr.rel .LBB2_1-.Ltmp0, $4  }
0x12: {  	s12 =	sadd.s32 s30, s12;
	s31 =	sor.u32 s13, s2;
	s4 =	sshrl.u32 s3, $0x3;
	v5 =	vsel vm13, $0x41400000, v5;
	v7 =	vunpack.c.0.s8.s32 v2;
	v4 =	vunpack.c.0.s8.s32 v4  }
0x13: {  	p0 =	sne.s32 s2, $0x0;
	s29 =	sshrl.u32 s5, $0x1;
	s4 =	sadd.s32 s4, s0;
	v3 =	vunpack.c.0.s8.s32 v3;
	v2 =	vsel vm14, $0x41500000, v5;
	v5 =	vunpack.c.0.s8.s32 v6  }
0x14: {  	p1 =	sne.s32 s31, $0x0;
	s0 =	ssub.s32 s5, s29;
	s9 =	sadd.s32 $0xE00, s4;
	v6 =	vimm.s32 $0x4;
	v2 =	vsel vm15, $0x41600000, v2;
	v4 =	vand.u32 $0xF, v4  }
0x15: {  	s10 =	sadd.s32 $0x1200, s4;
	s11 =	sadd.s32 $0x15600, s4;
	s13 =	smax.u32 s0, $0x1;
	v3 =	vcombine.low v3, v7;
	v4 =	vcombine.low v4, v5;
	v5 =	vlaneseq.u32  }
.LBB2_17:
.Ltmp1:
0x16: {  	(pc) =	sbr.rel @!p1 .LBB2_18-.Ltmp1, $2  }
0x17: {  	_ =	sdelay $0x1  }
0x18: {  	[bflag:$0x0] =	sbarrier.arrive $0xFFFF;
	_ =	sdelay $0x1  }
.LBB2_35:
0x19: {  	s28 =	sadd.s32 $0x1, s28  }
0x1a: {  	p2 =	sne.s32 s28, s13  }
.Ltmp2:
0x1b: {  	_ = 	snop;
	(pc) =	sbr.rel @!p2 .LBB2_36-.Ltmp2, $1  }
0x1c: {  	_ =	sdelay $0x3  }
.LBB2_1:
.Ltmp3:
0x1d: {  	(pc) =	sbr.rel @p0 .LBB2_17-.Ltmp3, $1  }
0x1e: {  	_ =	sdelay $0x3  }
0x1f: {  	s30 =	simm.s32 $0x0  }
0x20: {  	[tilespmem:s30], [sflag:$0x2] =	stream.linear.gather [hbm4b:s9+s30], $0x140, $0x38;
	[tilespmem:$0x3CC0] =	vst v63  }
0x21: {  	_ =	swait.ge [sflag:s14], $0x140  }
0x22: {  	[sflag:s14] =	ssyncset.done $0x0  }
0x23: {  	[sflag:s14] =	ssyncadd.s32 $0xFFFFFEC0  }
0x24: {  	[tilespmem:s15], [sflag:$0x2] =	stream.linear.gather [hbm4b:s10+s30], $0x140, $0x38;
	[tilespmem:$0x3CC0] =	vst v63  }
0x25: {  	_ =	swait.ge [sflag:s14], $0x140  }
0x26: {  	[sflag:s14] =	ssyncset.done $0x0  }
0x27: {  	[sflag:s14] =	ssyncadd.s32 $0xFFFFFEC0  }
0x28: {  	[tilespmem:s16], [sflag:$0x2] =	stream.linear.gather [hbm4b:s11+s30], $0x140, $0x38;
	[tilespmem:$0x3CC0] =	vst v63  }
0x29: {  	_ =	swait.ge [sflag:s14], $0x140  }
0x2a: {  	[sflag:s14] =	ssyncset.done $0x0  }
0x2b: {  	s31 =	simm.s32 $0x0;
	[sflag:s14] =	ssyncadd.s32 $0xFFFFFEC0  }
0x2c: {  	v11 =	vld [tilespmem:s31+$0x0]  }
0x2d: {  	v7 =	vld [tilespmem:s31+$0x300]  }
0x2e: {  	v8 =	vld [tilespmem:s31+$0x180];
	_ =	sdelay $0x2  }
0x2f: {  	s29 =	simm.s32 $0x10  }
0x30: {  	vm0 =	vgt.f32 v7, $5.000000000e-01;
	v7 =	vld [tilespmem:s29+$0x0]  }
0x31: {  	v9 =	vld [tilespmem:s29+$0x300];
	vm1 =	vge.f32 v11, $2.000000030e-01;
	vm2 =	vlt.f32 v8, $0.0e+00;
	vm3 =	vgt.f32 v8, $0.0e+00  }
0x32: {  	vm15 =	veq.f32 v8, $0.0e+00;
	v8 =	vld [tilespmem:s29+$0x180];
	vm0 =	vmand vm1, vm0;
	vm2 =	vmor vm3, vm2  }
0x33: {  	vm1 =	vmand vm15, vm0;
	vm0 =	vmand vm2, vm0  }
0x34: {  	s0 =	simm.s32 $0x80;
	v10 =	vnsel vm1, $0xFF800000, v11;
	v11 =	vnsel vm0, $0xFF800000, v11  }
.LBB2_3:
0x35: {  	s2 =	sshra.s32 s0, $0x2;
	[tilespmem:s31+$0x600] =	vst v11;
	v11 =	vmov v7;
	p2 =	sne.s32 s0, $0x4C0  }
.Ltmp4:
0x36: {  	v7 =	vld [tilespmem:s2+$0x0];
	vm0 =	vgt.f32 v9, $5.000000000e-01;
	[tilespmem:s31+$0x480] =	vst v10;
	s31 =	smov.u32 s29;
	s29 =	smov.u32 s2;
	(pc) =	sbr.rel @p2 .LBB2_3-.Ltmp4, $4  }
0x37: {  	s0 =	sadd.s32 $0x40, s0;
	vm1 =	vge.f32 v11, $2.000000030e-01;
	v9 =	vld [tilespmem:s29+$0x300];
	vm2 =	vlt.f32 v8, $0.0e+00;
	vm3 =	vgt.f32 v8, $0.0e+00  }
0x38: {  	vm0 =	vmand vm1, vm0;
	vm1 =	veq.f32 v8, $0.0e+00;
	v8 =	vld [tilespmem:s29+$0x180];
	vm2 =	vmor vm3, vm2  }
0x39: {  	vm1 =	vmand vm1, vm0;
	vm0 =	vmand vm2, vm0  }
0x3a: {  	v10 =	vnsel vm1, $0xFF800000, v11;
	v11 =	vnsel vm0, $0xFF800000, v11  }
0x3b: {  	_ = 	snop  }
0x3c: {  	vm1 =	vge.f32 v7, $2.000000030e-01  }
0x3d: {  	vm0 =	vgt.f32 v9, $5.000000000e-01;
	vm2 =	vlt.f32 v8, $0.0e+00;
	vm3 =	vgt.f32 v8, $0.0e+00  }
0x3e: {  	vm0 =	vmand vm1, vm0;
	vm14 =	vmor vm3, vm2  }
0x3f: {  	[tilespmem:s31+$0x600] =	vst v11;
	vm15 =	veq.f32 v8, $0.0e+00;
	vm1 =	vmand vm14, vm0  }
0x40: {  	[tilespmem:s31+$0x480] =	vst v10;
	vm0 =	vmand vm15, vm0;
	v8 =	vnsel vm1, $0xFF800000, v7  }
0x41: {  	v10 =	vimm.f32 $+Inf;
	v9 =	vnsel vm0, $0xFF800000, v7;
	[tilespmem:s29+$0x600] =	vst v8  }
0x42: {  	v7 =	vimm.f32 $-Inf;
	[tilespmem:s29+$0x480] =	vst v9;
	v9 =	vimm.f32 $-1.000000000e+00;
	v8 =	vimm.f32 $1.000000000e+09  }
.LBB2_5:
0x43: {  	s2 =	simm.s32 $0x0  }
0x44: {  	v11 =	vld [tilespmem:s2+$0x480]  }
0x45: {  	s29 =	scvt.s32.f32 s3;
	_ =	sdelay $0x1  }
0x46: {  	s0 =	simm.s32 $0x40;
	v12 =	vimm.f32 $-Inf;
	s2 =	smov.u32 s3;
	v13 =	vadd.f32 s29, v2  }
.LBB2_6:
0x47: {  	p2 =	sne.s32 s0, $0x4C0  }
.Ltmp5:
0x48: {  	s4 =	sshra.s32 s0, $0x2;
	s0 =	sadd.s32 $0x40, s0;
	vm0 =	veq.f32 v11, v10;
	vm1 =	vgt.f32 v13, v9;
	v13 =	vmov v11;
	(pc) =	sbr.rel @p2 .LBB2_6-.Ltmp5, $4  }
0x49: {  	s2 =	sadd.s32 $0x10, s2;
	v11 =	vld [tilespmem:s4+$0x480];
	vm2 =	vlt.f32 v13, v10;
	vm0 =	vmand vm1, vm0  }
0x4a: {  	s4 =	scvt.s32.f32 s2;
	v13 =	vmax.f32 v12, v13;
	vm0 =	vmor vm2, vm0  }
0x4b: {  	v12 =	vsel vm0, v13, v12  }
0x4c: {  	v13 =	vadd.f32 s4, v2  }
0x4d: {  	_ = 	snop  }
0x4e: {  	vm0 =	veq.f32 v11, v10;
	vm1 =	vgt.f32 v13, v9  }
0x4f: {  	vm2 =	vlt.f32 v11, v10;
	vm0 =	vmand vm1, vm0  }
0x50: {  	v11 =	vmax.f32 v12, v11;
	vm0 =	vmor vm2, vm0  }
0x51: {  	v11 =	vsel vm0, v11, v12  }
0x52: {  	v12 =	vperm.xlane v11, v0;
	_ =	sdelay $0x1  }
0x53: {  	v11 =	vmax.f32 v11, v12  }
0x54: {  	v12 =	vperm.xlane v11, v1;
	_ =	sdelay $0x1  }
0x55: {  	v11 =	vmax.f32 v11, v12  }
0x56: {  	s2 =	simm.s32 $0x0;
	v12 =	vperm.xlane v11, v3  }
0x57: {  	v14 =	vld [tilespmem:s2+$0x480]  }
0x58: {  	v11 =	vmax.f32 v11, v12  }
0x59: {  	v12 =	vperm.xlane v11, v4  }
0x5a: {  	v13 =	vadd.f32 s29, v2  }
0x5b: {  	s0 =	simm.s32 $0x40;
	s2 =	smov.u32 s3;
	v11 =	vmax.f32 v11, v12;
	v12 =	vimm.f32 $1.000000000e+09  }
.LBB2_8:
0x5c: {  	s4 =	sshra.s32 s0, $0x2;
	p2 =	sne.s32 s0, $0x4C0;
	s0 =	sadd.s32 $0x40, s0;
	vm0 =	veq.f32 v14, v10;
	vm1 =	vgt.f32 v13, v9;
	v15 =	vmov v14  }
.Ltmp6:
0x5d: {  	s2 =	sadd.s32 $0x10, s2;
	v14 =	vld [tilespmem:s4+$0x480];
	vm2 =	vlt.f32 v15, v10;
	vm0 =	vmand vm1, vm0;
	(pc) =	sbr.rel @p2 .LBB2_8-.Ltmp6, $4  }
0x5e: {  	s4 =	scvt.s32.f32 s2;
	vm1 =	veq.f32 v15, v11;
	vm0 =	vmor vm2, vm0  }
0x5f: {  	vm0 =	vmand vm1, vm0  }
0x60: {  	v15 =	vnsel vm0, $0x4E6E6B28, v13;
	v13 =	vadd.f32 s4, v2  }
0x61: {  	v12 =	vmin.f32 v12, v15  }
0x62: {  	vm0 =	veq.f32 v14, v10;
	vm1 =	vgt.f32 v13, v9  }
0x63: {  	vm2 =	vlt.f32 v14, v10;
	vm0 =	vmand vm1, vm0  }
0x64: {  	vm14 =	veq.f32 v14, v11;
	vm0 =	vmor vm2, vm0  }
0x65: {  	vm0 =	vmand vm14, vm0  }
0x66: {  	v9 =	vnsel vm0, $0x4E6E6B28, v13  }
0x67: {  	v9 =	vmin.f32 v12, v9  }
0x68: {  	v10 =	vperm.xlane v9, v0;
	_ =	sdelay $0x1  }
0x69: {  	v9 =	vmin.f32 v9, v10  }
0x6a: {  	v10 =	vperm.xlane v9, v1;
	_ =	sdelay $0x1  }
0x6b: {  	v9 =	vmin.f32 v9, v10  }
0x6c: {  	v10 =	vperm.xlane v9, v3  }
0x6d: {  	s0 =	scvt.s32.f32 s30;
	s30 =	sadd.s32 $0x1, s30  }
0x6e: {  	p2 =	sne.s32 s30, $0xF;
	v9 =	vmin.f32 v9, v10  }
.Ltmp7:
0x6f: {  	v10 =	vperm.xlane v9, v4;
	(pc) =	sbr.rel @p2 .LBB2_5-.Ltmp7, $4  }
0x70: {  	_ = 	snop  }
0x71: {  	v63 =	vmov s0  }
0x72: {  	vm15 =	veq.f32 v63, v2;
	v9 =	vmin.f32 v9, v10  }
0x73: {  	v7 =	vsel vm15, v11, v7;
	v8 =	vsel vm15, v9, v8;
	v10 =	vmov v11  }
0x74: {  	v12 =	vimm.f32 $+Inf  }
0x75: {  	s30 =	simm.s32 $0x0;
	v11 =	vimm.f32 $-1.000000000e+00;
	v10 =	vimm.f32 $-Inf;
	v9 =	vimm.f32 $1.000000000e+09  }
.LBB2_11:
0x76: {  	s2 =	simm.s32 $0x0  }
0x77: {  	v13 =	vld [tilespmem:s2+$0x600];
	_ =	sdelay $0x2  }
0x78: {  	s0 =	simm.s32 $0x40;
	v15 =	vadd.f32 s29, v2;
	v14 =	vimm.f32 $-Inf;
	s2 =	smov.u32 s3  }
.LBB2_12:
0x79: {  	p2 =	sne.s32 s0, $0x4C0  }
.Ltmp8:
0x7a: {  	s4 =	sshra.s32 s0, $0x2;
	s0 =	sadd.s32 $0x40, s0;
	vm0 =	veq.f32 v13, v12;
	vm1 =	vgt.f32 v15, v11;
	v15 =	vmov v13;
	(pc) =	sbr.rel @p2 .LBB2_12-.Ltmp8, $4  }
0x7b: {  	s2 =	sadd.s32 $0x10, s2;
	v13 =	vld [tilespmem:s4+$0x600];
	vm2 =	vlt.f32 v15, v12;
	vm0 =	vmand vm1, vm0  }
0x7c: {  	s4 =	scvt.s32.f32 s2;
	v15 =	vmax.f32 v14, v15;
	vm0 =	vmor vm2, vm0  }
0x7d: {  	v14 =	vsel vm0, v15, v14  }
0x7e: {  	v15 =	vadd.f32 s4, v2  }
0x7f: {  	_ = 	snop  }
0x80: {  	vm0 =	veq.f32 v13, v12;
	vm1 =	vgt.f32 v15, v11  }
0x81: {  	vm2 =	vlt.f32 v13, v12;
	vm0 =	vmand vm1, vm0  }
0x82: {  	v13 =	vmax.f32 v14, v13;
	vm0 =	vmor vm2, vm0  }
0x83: {  	v13 =	vsel vm0, v13, v14  }
0x84: {  	v14 =	vperm.xlane v13, v0;
	_ =	sdelay $0x1  }
0x85: {  	v13 =	vmax.f32 v13, v14  }
0x86: {  	v14 =	vperm.xlane v13, v1;
	_ =	sdelay $0x1  }
0x87: {  	v13 =	vmax.f32 v13, v14  }
0x88: {  	s2 =	simm.s32 $0x0;
	v14 =	vperm.xlane v13, v3  }
0x89: {  	v16 =	vld [tilespmem:s2+$0x600]  }
0x8a: {  	v13 =	vmax.f32 v13, v14  }
0x8b: {  	v14 =	vperm.xlane v13, v4  }
0x8c: {  	v15 =	vadd.f32 s29, v2  }
0x8d: {  	s0 =	simm.s32 $0x40;
	s2 =	smov.u32 s3;
	v13 =	vmax.f32 v13, v14;
	v14 =	vimm.f32 $1.000000000e+09  }
.LBB2_14:
0x8e: {  	s4 =	sshra.s32 s0, $0x2;
	p2 =	sne.s32 s0, $0x4C0;
	s0 =	sadd.s32 $0x40, s0;
	vm0 =	veq.f32 v16, v12;
	vm1 =	vgt.f32 v15, v11;
	v17 =	vmov v16  }
.Ltmp9:
0x8f: {  	s2 =	sadd.s32 $0x10, s2;
	v16 =	vld [tilespmem:s4+$0x600];
	vm2 =	vlt.f32 v17, v12;
	vm0 =	vmand vm1, vm0;
	(pc) =	sbr.rel @p2 .LBB2_14-.Ltmp9, $4  }
0x90: {  	s4 =	scvt.s32.f32 s2;
	vm1 =	veq.f32 v17, v13;
	vm0 =	vmor vm2, vm0  }
0x91: {  	vm0 =	vmand vm1, vm0  }
0x92: {  	v17 =	vnsel vm0, $0x4E6E6B28, v15;
	v15 =	vadd.f32 s4, v2  }
0x93: {  	v14 =	vmin.f32 v14, v17  }
0x94: {  	vm0 =	veq.f32 v16, v12;
	vm1 =	vgt.f32 v15, v11  }
0x95: {  	vm2 =	vlt.f32 v16, v12;
	vm0 =	vmand vm1, vm0  }
0x96: {  	vm14 =	veq.f32 v16, v13;
	vm0 =	vmor vm2, vm0  }
0x97: {  	vm0 =	vmand vm14, vm0  }
0x98: {  	v11 =	vnsel vm0, $0x4E6E6B28, v15  }
0x99: {  	v11 =	vmin.f32 v14, v11  }
0x9a: {  	v12 =	vperm.xlane v11, v0;
	_ =	sdelay $0x1  }
0x9b: {  	v11 =	vmin.f32 v11, v12  }
0x9c: {  	v12 =	vperm.xlane v11, v1;
	_ =	sdelay $0x1  }
0x9d: {  	v11 =	vmin.f32 v11, v12  }
0x9e: {  	v12 =	vperm.xlane v11, v3  }
0x9f: {  	s0 =	scvt.s32.f32 s30;
	s30 =	sadd.s32 $0x1, s30  }
0xa0: {  	p2 =	sne.s32 s30, $0xF;
	v11 =	vmin.f32 v11, v12  }
.Ltmp10:
0xa1: {  	v12 =	vperm.xlane v11, v4;
	(pc) =	sbr.rel @p2 .LBB2_11-.Ltmp10, $4  }
0xa2: {  	_ = 	snop  }
0xa3: {  	v14 =	vmov s0  }
0xa4: {  	vm15 =	veq.f32 v14, v2;
	v11 =	vmin.f32 v11, v12  }
0xa5: {  	v10 =	vsel vm15, v13, v10;
	v9 =	vsel vm15, v11, v9;
	v12 =	vmov v13  }
0xa6: {  	[tilespmem:$0x780] =	vst v7  }
0xa7: {  	[tilespmem:$0x790] =	vst v8  }
0xa8: {  	[tilespmem:$0x7A0] =	vst v10  }
.Ltmp11:
0xa9: {  	[tilespmem:$0x7B0] =	vst v9;
	(pc) =	sbr.rel .LBB2_17-.Ltmp11, $4  }
0xaa: {  	[spmem:s12] =	stream.linear.scatter [tilespmem:s17], [sflag:$0x2], $0x40, $0x38;
	[tilespmem:$0x3CC0] =	vst v63  }
0xab: {  	_ =	swait.ge [sflag:s14], $0x40  }
0xac: {  	[sflag:s14] =	ssyncset.done $0x0  }
0xad: {  	[sflag:s14] =	ssyncadd.s32 $0xFFFFFFC0  }
.LBB2_18:
0xae: {  	s0 =	rddreg [dreg:$0x3];
	s2 =	simm.s32 $0x840  }
0xaf: {  	[tilespmem:s2], [sflag:$0x2] =	stream.linear.gather [spmem:s0], $0x400, $0x38;
	[tilespmem:$0x3CC0] =	vst v63  }
0xb0: {  	_ =	swait.ge [sflag:s14], $0x400  }
0xb1: {  	[sflag:s14] =	ssyncset.done $0x0  }
0xb2: {  	s29 =	simm.s32 $0x0;
	v9 =	vimm.f32 $+Inf;
	v8 =	vimm.f32 $-1.000000000e+00;
	v7 =	vimm.f32 $1.000000000e+09;
	[sflag:s14] =	ssyncadd.s32 $0xFFFFFC00  }
.LBB2_19:
0xb3: {  	s2 =	simm.s32 $0x0  }
0xb4: {  	v11 =	vld [tilespmem:s2+$0x840]  }
0xb5: {  	v12 =	vld [tilespmem:s2+$0x850];
	_ =	sdelay $0x1  }
0xb6: {  	v10 =	vimm.f32 $-Inf;
	s0 =	simm.s32 $0x100  }
.LBB2_20:
0xb7: {  	p2 =	sne.s32 s0, $0xF00  }
.Ltmp12:
0xb8: {  	s2 =	sshra.s32 s0, $0x2;
	v13 =	vmov v11;
	(pc) =	sbr.rel @p2 .LBB2_20-.Ltmp12, $4  }
0xb9: {  	s0 =	sadd.s32 $0x100, s0;
	v11 =	vld [tilespmem:s2+$0x840];
	vm0 =	veq.f32 v13, v9;
	vm1 =	vgt.f32 v12, v8  }
0xba: {  	vm2 =	vlt.f32 v13, v9;
	v12 =	vld [tilespmem:s2+$0x850];
	vm0 =	vmand vm0, vm1  }
0xbb: {  	v13 =	vmax.f32 v10, v13;
	vm0 =	vmor vm2, vm0  }
0xbc: {  	v10 =	vsel vm0, v13, v10  }
0xbd: {  	_ =	sdelay $0x1  }
0xbe: {  	vm0 =	veq.f32 v11, v9;
	vm1 =	vgt.f32 v12, v8  }
0xbf: {  	vm2 =	vlt.f32 v11, v9;
	vm0 =	vmand vm0, vm1  }
0xc0: {  	v11 =	vmax.f32 v10, v11;
	vm0 =	vmor vm2, vm0  }
0xc1: {  	v10 =	vsel vm0, v11, v10  }
0xc2: {  	v11 =	vperm.xlane v10, v0;
	_ =	sdelay $0x1  }
0xc3: {  	v10 =	vmax.f32 v10, v11  }
0xc4: {  	v11 =	vperm.xlane v10, v1;
	_ =	sdelay $0x1  }
0xc5: {  	s0 =	simm.s32 $0x0;
	v10 =	vmax.f32 v10, v11  }
0xc6: {  	v14 =	vld [tilespmem:s0+$0x850];
	v11 =	vperm.xlane v10, v3  }
0xc7: {  	v12 =	vld [tilespmem:s0+$0x840]  }
0xc8: {  	v10 =	vmax.f32 v10, v11  }
0xc9: {  	v11 =	vperm.xlane v10, v4;
	_ =	sdelay $0x1  }
0xca: {  	s2 =	simm.s32 $0x40;
	vm13 =	vgt.f32 v14, v8;
	v10 =	vmax.f32 v10, v11  }
0xcb: {  	vm12 =	veq.f32 v12, v9;
	vm14 =	vlt.f32 v12, v9;
	vm15 =	veq.f32 v12, v10;
	v12 =	vld [tilespmem:s2+$0x840]  }
0xcc: {  	v13 =	vld [tilespmem:s2+$0x850];
	vm0 =	vmand vm12, vm13  }
0xcd: {  	vm0 =	vmor vm14, vm0  }
0xce: {  	vm0 =	vmand vm15, vm0  }
0xcf: {  	s0 =	simm.s32 $0x200;
	v11 =	vimm.f32 $1.000000000e+09;
	v14 =	vnsel vm0, $0x4E6E6B28, v14  }
.LBB2_22:
0xd0: {  	s2 =	sshra.s32 s0, $0x2;
	v11 =	vmin.f32 v11, v14;
	v14 =	vmov v12;
	p2 =	sne.s32 s0, $0xF00  }
.Ltmp13:
0xd1: {  	s0 =	sadd.s32 $0x100, s0;
	v12 =	vld [tilespmem:s2+$0x840];
	vm0 =	veq.f32 v14, v9;
	vm1 =	vgt.f32 v13, v8;
	v15 =	vmov v13;
	(pc) =	sbr.rel @p2 .LBB2_22-.Ltmp13, $4  }
0xd2: {  	vm2 =	vlt.f32 v14, v9;
	v13 =	vld [tilespmem:s2+$0x850];
	vm0 =	vmand vm0, vm1  }
0xd3: {  	vm1 =	veq.f32 v14, v10;
	vm0 =	vmor vm2, vm0  }
0xd4: {  	vm0 =	vmand vm1, vm0  }
0xd5: {  	v14 =	vnsel vm0, $0x4E6E6B28, v15  }
0xd6: {  	_ = 	snop  }
0xd7: {  	vm0 =	veq.f32 v12, v9;
	vm1 =	vgt.f32 v13, v8  }
0xd8: {  	vm13 =	vlt.f32 v12, v9;
	vm0 =	vmand vm0, vm1  }
0xd9: {  	vm14 =	veq.f32 v12, v10;
	vm0 =	vmor vm13, vm0  }
0xda: {  	vm0 =	vmand vm14, vm0  }
0xdb: {  	v8 =	vmin.f32 v11, v14;
	v9 =	vnsel vm0, $0x4E6E6B28, v13  }
0xdc: {  	v8 =	vmin.f32 v8, v9  }
0xdd: {  	v9 =	vperm.xlane v8, v0;
	_ =	sdelay $0x1  }
0xde: {  	v8 =	vmin.f32 v8, v9  }
0xdf: {  	v9 =	vperm.xlane v8, v1;
	_ =	sdelay $0x1  }
0xe0: {  	v8 =	vmin.f32 v8, v9  }
0xe1: {  	v9 =	vperm.xlane v8, v3  }
0xe2: {  	s0 =	scvt.s32.f32 s29;
	s29 =	sadd.s32 $0x1, s29  }
0xe3: {  	p2 =	sne.s32 s29, $0xF;
	v8 =	vmin.f32 v8, v9  }
.Ltmp14:
0xe4: {  	v9 =	vperm.xlane v8, v4;
	(pc) =	sbr.rel @p2 .LBB2_19-.Ltmp14, $4  }
0xe5: {  	_ = 	snop  }
0xe6: {  	v11 =	vmov s0  }
0xe7: {  	vm15 =	veq.f32 v11, v2;
	v8 =	vmin.f32 v8, v9  }
0xe8: {  	v7 =	vsel vm15, v8, v7;
	v9 =	vmov v10  }
0xe9: {  	s29 =	simm.s32 $0x0;
	v10 =	vimm.f32 $+Inf;
	v9 =	vimm.f32 $-1.000000000e+00;
	v8 =	vimm.f32 $1.000000000e+09  }
.LBB2_25:
0xea: {  	s2 =	simm.s32 $0x0  }
0xeb: {  	v12 =	vld [tilespmem:s2+$0x860]  }
0xec: {  	v13 =	vld [tilespmem:s2+$0x870];
	_ =	sdelay $0x1  }
0xed: {  	v11 =	vimm.f32 $-Inf;
	s0 =	simm.s32 $0x100  }
.LBB2_26:
0xee: {  	p2 =	sne.s32 s0, $0xF00  }
.Ltmp15:
0xef: {  	s2 =	sshra.s32 s0, $0x2;
	v14 =	vmov v12;
	(pc) =	sbr.rel @p2 .LBB2_26-.Ltmp15, $4  }
0xf0: {  	s0 =	sadd.s32 $0x100, s0;
	v12 =	vld [tilespmem:s2+$0x860];
	vm0 =	veq.f32 v14, v10;
	vm1 =	vgt.f32 v13, v9  }
0xf1: {  	vm2 =	vlt.f32 v14, v10;
	v13 =	vld [tilespmem:s2+$0x870];
	vm0 =	vmand vm0, vm1  }
0xf2: {  	v14 =	vmax.f32 v11, v14;
	vm0 =	vmor vm2, vm0  }
0xf3: {  	v11 =	vsel vm0, v14, v11  }
0xf4: {  	_ =	sdelay $0x1  }
0xf5: {  	vm0 =	veq.f32 v12, v10;
	vm1 =	vgt.f32 v13, v9  }
0xf6: {  	vm2 =	vlt.f32 v12, v10;
	vm0 =	vmand vm0, vm1  }
0xf7: {  	v12 =	vmax.f32 v11, v12;
	vm0 =	vmor vm2, vm0  }
0xf8: {  	v11 =	vsel vm0, v12, v11  }
0xf9: {  	v12 =	vperm.xlane v11, v0;
	_ =	sdelay $0x1  }
0xfa: {  	v11 =	vmax.f32 v11, v12  }
0xfb: {  	v12 =	vperm.xlane v11, v1;
	_ =	sdelay $0x1  }
0xfc: {  	s0 =	simm.s32 $0x0;
	v11 =	vmax.f32 v11, v12  }
0xfd: {  	v15 =	vld [tilespmem:s0+$0x870];
	v12 =	vperm.xlane v11, v3  }
0xfe: {  	v13 =	vld [tilespmem:s0+$0x860]  }
0xff: {  	v11 =	vmax.f32 v11, v12  }
0x100: {  	v12 =	vperm.xlane v11, v4;
	_ =	sdelay $0x1  }
0x101: {  	s2 =	simm.s32 $0x40;
	vm13 =	vgt.f32 v15, v9;
	v11 =	vmax.f32 v11, v12  }
0x102: {  	vm12 =	veq.f32 v13, v10;
	vm14 =	vlt.f32 v13, v10;
	vm15 =	veq.f32 v13, v11;
	v13 =	vld [tilespmem:s2+$0x860]  }
0x103: {  	v14 =	vld [tilespmem:s2+$0x870];
	vm0 =	vmand vm12, vm13  }
0x104: {  	vm0 =	vmor vm14, vm0  }
0x105: {  	vm0 =	vmand vm15, vm0  }
0x106: {  	s0 =	simm.s32 $0x200;
	v12 =	vimm.f32 $1.000000000e+09;
	v15 =	vnsel vm0, $0x4E6E6B28, v15  }
.LBB2_28:
0x107: {  	s2 =	sshra.s32 s0, $0x2;
	v12 =	vmin.f32 v12, v15;
	v15 =	vmov v13;
	p2 =	sne.s32 s0, $0xF00  }
.Ltmp16:
0x108: {  	s0 =	sadd.s32 $0x100, s0;
	v13 =	vld [tilespmem:s2+$0x860];
	vm0 =	veq.f32 v15, v10;
	vm1 =	vgt.f32 v14, v9;
	v16 =	vmov v14;
	(pc) =	sbr.rel @p2 .LBB2_28-.Ltmp16, $4  }
0x109: {  	vm2 =	vlt.f32 v15, v10;
	v14 =	vld [tilespmem:s2+$0x870];
	vm0 =	vmand vm0, vm1  }
0x10a: {  	vm1 =	veq.f32 v15, v11;
	vm0 =	vmor vm2, vm0  }
0x10b: {  	vm0 =	vmand vm1, vm0  }
0x10c: {  	v15 =	vnsel vm0, $0x4E6E6B28, v16  }
0x10d: {  	_ = 	snop  }
0x10e: {  	vm0 =	veq.f32 v13, v10;
	vm1 =	vgt.f32 v14, v9  }
0x10f: {  	vm13 =	vlt.f32 v13, v10;
	vm0 =	vmand vm0, vm1  }
0x110: {  	vm14 =	veq.f32 v13, v11;
	vm0 =	vmor vm13, vm0  }
0x111: {  	vm0 =	vmand vm14, vm0  }
0x112: {  	v9 =	vmin.f32 v12, v15;
	v10 =	vnsel vm0, $0x4E6E6B28, v14  }
0x113: {  	v9 =	vmin.f32 v9, v10  }
0x114: {  	v10 =	vperm.xlane v9, v0;
	_ =	sdelay $0x1  }
0x115: {  	v9 =	vmin.f32 v9, v10  }
0x116: {  	v10 =	vperm.xlane v9, v1;
	_ =	sdelay $0x1  }
0x117: {  	v9 =	vmin.f32 v9, v10  }
0x118: {  	v10 =	vperm.xlane v9, v3  }
0x119: {  	s0 =	scvt.s32.f32 s29;
	s29 =	sadd.s32 $0x1, s29  }
0x11a: {  	p2 =	sne.s32 s29, $0xF;
	v9 =	vmin.f32 v9, v10  }
.Ltmp17:
0x11b: {  	v10 =	vperm.xlane v9, v4;
	(pc) =	sbr.rel @p2 .LBB2_25-.Ltmp17, $4  }
0x11c: {  	_ = 	snop  }
0x11d: {  	v63 =	vmov s0  }
0x11e: {  	vm15 =	veq.f32 v63, v2;
	v9 =	vmin.f32 v9, v10  }
0x11f: {  	v8 =	vsel vm15, v9, v8;
	v10 =	vmov v11  }
0x120: {  	v7 =	vmin.f32 v7, $1.000000000e+09  }
0x121: {  	v7 =	vtrunc.f32 v7  }
0x122: {  	v7 =	vcvt.f32.s32 v7;
	_ =	sdelay $0x1  }
0x123: {  	vm0 =	vgt.s32 v7, $0x13FF  }
0x124: {  	v7 =	vsel vm0, $0x0, v7  }
0x125: {  	v9 =	vshll.u32 v7, $0x1  }
0x126: {  	v10 =	vand.u32 $0x7, v7;
	v9 =	vand.u32 $0xFFFFFFF0, v9  }
0x127: {  	v63 =	vand.u32 $0x7, v5;
	v11 =	vshrl.u32 v5, $0x3;
	v9 =	vor.u32 v10, v9  }
0x128: {  	v8 =	vmin.f32 v8, $1.000000000e+09;
	v11 =	vmul.u32 $0x8, v11;
	v12 =	vperm.xlane v9, v63  }
0x129: {  	v13 =	vor.u32 $0x8, v5;
	v8 =	vtrunc.f32 v8  }
0x12a: {  	v8 =	vcvt.f32.s32 v8;
	v9 =	vperm.xlane v9, v13;
	v12 =	vadd.s32 v11, v12;
	_ =	sdelay $0x1  }
0x12b: {  	vm14 =	vgt.s32 v8, $0x13FF;
	v9 =	vadd.s32 v11, v9  }
0x12c: {  	[tilespmem:$0xC40] =	vst v7;
	v7 =	vsel vm14, $0x0, v8  }
0x12d: {  	vm15 =	vmmov $0xffff;
	s29 =	simm.s32 $0x0;
	[tilespmem:$0xC50] =	vst v7  }
0x12e: {  	[tilespmem:s19], [sflag:$0x1] =	stream.indirect_vreg.gather [hbm4b:s1+s29], $0x80, v12, vm15, $0xb8;
	[tilespmem:$0x3CC0] =	vst v63  }
0x12f: {  	s0 =	simm.s32 $0x14C0  }
0x130: {  	[tilespmem:s0], [sflag:$0x1] =	stream.indirect_vreg.gather [hbm4b:s1+s29], $0x80, v9, vm15, $0xb8;
	[tilespmem:$0x3CC0] =	vst v63  }
0x131: {  	v7 =	vld [tilespmem:$0xC50];
	_ =	sdelay $0x4  }
0x132: {  	v8 =	vshll.u32 v7, $0x1  }
0x133: {  	v7 =	vand.u32 $0x7, v7;
	v8 =	vand.u32 $0xFFFFFFF0, v8  }
0x134: {  	v7 =	vor.u32 v7, v8  }
0x135: {  	v8 =	vperm.xlane v7, v63;
	_ =	sdelay $0x1  }
0x136: {  	v7 =	vperm.xlane v7, v13;
	v8 =	vadd.s32 v11, v8;
	_ =	sdelay $0x1  }
0x137: {  	v7 =	vadd.s32 v11, v7;
	_ =	sdelay $0x1  }
0x138: {  	s22 =	simm.s32 $0x1CC0  }
0x139: {  	[tilespmem:s22], [sflag:$0x1] =	stream.indirect_vreg.gather [hbm4b:s1+s29], $0x80, v8, vm15, $0xb8;
	[tilespmem:$0x3CC0] =	vst v63  }
0x13a: {  	s31 =	simm.s32 $0x24C0  }
0x13b: {  	[tilespmem:s31], [sflag:$0x1] =	stream.indirect_vreg.gather [hbm4b:s1+s29], $0x80, v7, vm15, $0xb8;
	[tilespmem:$0x3CC0] =	vst v63  }
0x13c: {  	_ =	swait.ge [sflag:s23], $0x2000  }
0x13d: {  	[sflag:s23] =	ssyncset.done $0x0  }
0x13e: {  	[sflag:s23] =	ssyncadd.s32 $0xFFFFE000  }
0x13f: {  	[tilespmem:s26], [sflag:$0x1] =	stream.indirect.gather [hbm4b:s7+s24], $0x80, s25, s24, $0xb8;
	[tilespmem:$0x3CC0] =	vst v63  }
0x140: {  	_ =	swait.ge [sflag:s23], $0x1000  }
0x141: {  	[sflag:s23] =	ssyncset.done $0x0  }
0x142: {  	s30 =	simm.s32 $0x0;
	[sflag:s23] =	ssyncadd.s32 $0xFFFFF000  }
.LBB2_31:
0x143: {  	s0 =	sshll.u32 s30, $0x7  }
0x144: {  	s2 =	sand.u32 $0x3FFFFF80, s0  }
0x145: {  	v7 =	vld [tilespmem:s2+$0x2CC0];
	_ =	sdelay $0x4  }
0x146: {  	v7 =	vperm.xlane v7, v6;
	_ =	sdelay $0x1  }
0x147: {  	v7 =	vsub.f32 $0.0e+00, v7;
	_ =	sdelay $0x1  }
0x148: {  	v7 =	vmul.f32 $1.442695020e+00, v7  }
0x149: {  	s5 =	sor.u32 $0x10, s30  }
0x14a: {  	s4 =	sshll.u32 s5, $0x7;
	(erf) = vpow2.f32 v7  }
0x14b: {  	s4 =	sand.u32 $0x3FFFFF80, s4  }
0x14c: {  	v7 =	vld [tilespmem:s4+$0x2CC0];
	_ =	sdelay $0x4  }
0x14d: {  	v7 =	vperm.xlane v7, v6;
	_ =	sdelay $0x1  }
0x14e: {  	v7 =	vsub.f32 $0.0e+00, v7;
	v8 =	vpop (erf)  }
0x14f: {  	v8 =	vadd.f32 $1.000000000e+00, v8  }
0x150: {  	v7 =	vmul.f32 $1.442695020e+00, v7  }
0x151: {  	(erf) = vrcp.f32 v8  }
0x152: {  	(erf) = vpow2.f32 v7;
	_ =	sdelay $0x7  }
0x153: {  	v7 =	vpop (erf)  }
0x154: {  	v8 =	vpop (erf)  }
0x155: {  	s18 =	sshll.u32 s30, $0x8;
	v8 =	vadd.f32 $1.000000000e+00, v8  }
0x156: {  	s0 =	sand.u32 $0x380, s0;
	s2 =	sshll.u32 s5, $0x8;
	s4 =	sand.u32 $0x800, s18  }
0x157: {  	s2 =	sand.u32 $0x1800, s2;
	s4 =	sor.u32 s0, s4;
	(erf) = vrcp.f32 v8  }
0x158: {  	s20 =	sand.u32 $0x400, s29;
	s0 =	sor.u32 s0, s2;
	s31 =	sadd.s32 $0xCC0, s4  }
0x159: {  	s5 =	sand.u32 $0x70, s29;
	s4 =	sadd.s32 $0xCC0, s0;
	s21 =	sadd.s32 s20, s31  }
0x15a: {  	s2 =	sadd.s32 s20, s4;
	s0 =	sadd.s32 s5, s21  }
0x15b: {  	s2 =	sadd.s32 s5, s2;
	v9 =	vld [tilespmem:s0+$0x0]  }
0x15c: {  	v10 =	vld [tilespmem:s2+$0x0];
	_ =	sdelay $0x2  }
0x15d: {  	s18 =	simm.s32 $0x80  }
0x15e: {  	s22 =	simm.s32 $0x10;
	s21 =	sand.u32 $0x400, s18;
	v9 =	vmul.f32 v9, v7;
	v8 =	vpop (erf)  }
0x15f: {  	s20 =	sand.u32 $0x70, s22;
	s5 =	simm.s32 $0x20;
	s22 =	sadd.s32 s21, s31;
	v10 =	vmul.f32 v10, v8  }
.LBB2_32:
0x160: {  	p2 =	sne.s32 s5, $0xF0;
	s21 =	sadd.s32 s21, s4;
	[tilespmem:s0+$0x0] =	vst v9;
	s0 =	sadd.s32 s20, s22  }
0x161: {  	v9 =	vld [tilespmem:s0+$0x0];
	[tilespmem:s2+$0x0] =	vst v10;
	s2 =	sadd.s32 s20, s21  }
0x162: {  	v10 =	vld [tilespmem:s2+$0x0]  }
.Ltmp18:
0x163: {  	(pc) =	sbr.rel @p2 .LBB2_32-.Ltmp18, $4  }
0x164: {  	_ = 	snop  }
0x165: {  	s18 =	sadd.s32 $0x80, s18  }
0x166: {  	s21 =	sand.u32 $0x400, s18;
	v9 =	vmul.f32 v9, v7  }
0x167: {  	s20 =	sand.u32 $0x70, s5;
	s5 =	sadd.s32 $0x10, s5;
	s22 =	sadd.s32 s21, s31;
	v10 =	vmul.f32 v10, v8  }
0x168: {  	s5 =	sadd.s32 s20, s22;
	s4 =	sadd.s32 s21, s4;
	[tilespmem:s0+$0x0] =	vst v9  }
0x169: {  	v9 =	vld [tilespmem:s5+$0x0];
	s31 =	sadd.s32 s20, s4;
	[tilespmem:s2+$0x0] =	vst v10  }
0x16a: {  	v10 =	vld [tilespmem:s31+$0x0]  }
0x16b: {  	s30 =	sadd.s32 $0x1, s30  }
0x16c: {  	p2 =	sne.s32 s30, $0x10  }
.Ltmp19:
0x16d: {  	_ = 	snop;
	(pc) =	sbr.rel @p2 .LBB2_31-.Ltmp19, $4  }
0x16e: {  	v7 =	vmul.f32 v9, v7  }
0x16f: {  	v8 =	vmul.f32 v10, v8  }
0x170: {  	[tilespmem:s5+$0x0] =	vst v7  }
0x171: {  	[tilespmem:s31+$0x0] =	vst v8  }
0x172: {  	s0 =	rddreg [dreg:$0x2]  }
0x173: {  	[hbm4b:s0+s6] =	stream.linear.scatter [tilespmem:s19], [sflag:$0x2], $0x2000, $0x38;
	[tilespmem:$0x3CC0] =	vst v63  }
0x174: {  	_ =	swait.ge [sflag:s14], $0x2000  }
0x175: {  	[sflag:s14] =	ssyncset.done $0x0  }
.Ltmp20:
0x176: {  	[sflag:s14] =	ssyncadd.s32 $0xFFFFE000;
	(pc) =	sbr.rel .LBB2_35-.Ltmp20, $4  }
0x177: {  	[hbm4b:s8+s6] =	stream.linear.scatter [tilespmem:s26], [sflag:$0x2], $0x1000, $0x38;
	[tilespmem:$0x3CC0] =	vst v63  }
0x178: {  	_ =	swait.ge [sflag:s14], $0x1000  }
0x179: {  	[sflag:s14] =	ssyncset.done $0x0  }
0x17a: {  	[sflag:s14] =	ssyncadd.s32 $0xFFFFF000  }
.LBB2_36:
0x17b: {  	_ =	sfence.sel $0x180000  }
0x17c: {  	[bflag:$0x0] =	sbarrier.arrive $0xFFFF  }
0x17d: {  	_ =	strace $0x90000047  }
0x17e: {  	s0 =	stileid.u32;
	[bflag:$0x2] =	sbarrier.arrive $0xFFFF  }
0x17f: {  	p0 =	sne.s32 s0, $0x0;
	s0 =	rddreg [dreg:$0x4]  }
0x180: {  	s0 =	sadd.s32 @!p0 $0x100000, s0  }
0x181: {  	[sflag:s0] =	ssyncadd.tile.s32 @!p0 $0x1;
	_ =	shalt  }
.Lfunc_end2:
_tile_overlayer_lowered:
.L_overlay_start_2:
0x182: {  	(tag) =	ssettag $0x2  }
0x183: {  	s0 =	rddreg [dreg:$0x0];
	s2 =	stileid.u32  }
0x184: {  	s1 =	rddreg [dreg:$0x1];
	p0 =	sne.s32 s2, $0x0  }
0x185: {  	s3 =	rddreg [dreg:$0x2];
	[bflag:$0x3] =	sbarrier.arrive $0xFFFF;
	s2 =	simm.s32 @!p0 $0x1C02  }
0x186: {  	[timem:s3], [sflag:s2] =	dma.local @!p0 [hbm:s0], s1  }
0x187: {  	s0 =	simm.s32 @!p0 $0x2  }
0x188: {  	_ =	swait.ge @!p0 [sflag:s0], s1  }
0x189: {  	s1 =	ssub.s32 @!p0 $0x0, s1;
	[sflag:s0] =	ssyncset.done @!p0 $0x0  }
0x18a: {  	[sflag:s0] =	ssyncadd.s32 @!p0 s1  }
0x18b: {  	[bflag:$0x3] =	sbarrier.arrive $0xFFFF  }
0x18c: {  	_ =	shalt  }

</sc_bundles>
